<compile_context>
chip_gen: v7x
topology: tpu7x:2x2x1
jax: 0.10.2.dev20260603
libtpu: 0.0.44.dev20260713+nightly
codegen_flags: <defaults>
</compile_context>

<pallas_src>
import jax
import jax.numpy as jnp
from jax import lax
from jax.experimental import pallas as pl
from jax.experimental.pallas import tpu as pltpu
from jax.experimental.pallas import tpu_sc as plsc

N_NODES = 10000
E_EDGES = 320000
D = 128
N_CLS = 47

NC = 2
NS = 16
NW = NC * NS
CHUNK = 128
NCHUNK0 = 78
NCHUNK1 = 79
NCHUNK = max(NCHUNK0, NCHUNK1)
EPT0 = NCHUNK0 * CHUNK
EPT1 = NCHUNK1 * CHUNK
E_PAD = NS * (EPT0 + EPT1)
ROWS_PT = 640
N_PAD = NS * ROWS_PT
DUMMY_DST = N_NODES + 16
DEGW = 128


_MESH = plsc.VectorSubcoreMesh(core_axis_name="c", subcore_axis_name="s")


def _make_sc_agg():
    scratch = (
        pltpu.VMEM((NCHUNK, CHUNK), jnp.int32),
        pltpu.VMEM((NCHUNK, CHUNK), jnp.int32),
        pltpu.VMEM((CHUNK, D), jnp.float32),
        pltpu.VMEM_SHARED((N_PAD, D), jnp.float32),
    )

    def fn(h_hbm, src_hbm, dst_hbm, zacc_hbm,
           acc_out, src_v, dst_v, buf, acc_sh):
        c = lax.axis_index("c")
        s = lax.axis_index("s")
        t = c * NS + s
        base = s * ROWS_PT
        pltpu.sync_copy(zacc_hbm, acc_sh.at[pl.ds(base, ROWS_PT)])
        pltpu.sync_copy(src_hbm.at[t], src_v)
        pltpu.sync_copy(dst_hbm.at[t], dst_v)
        plsc.subcore_barrier()

        def step(j, carry):
            pltpu.sync_copy(h_hbm.at[src_v.at[j]], buf)
            pltpu.sync_copy(buf, acc_sh.at[dst_v.at[j]], add=True)
            return carry

        nch = jnp.where(c == 0, NCHUNK0, NCHUNK1)
        lax.fori_loop(0, nch, step, 0)
        plsc.subcore_barrier()
        pltpu.sync_copy(acc_sh.at[pl.ds(base, ROWS_PT)],
                        acc_out.at[c, pl.ds(base, ROWS_PT)])

    return pl.kernel(fn,
                     out_type=jax.ShapeDtypeStruct((NC, N_PAD, D),
                                                   jnp.float32),
                     mesh=_MESH, scratch_types=scratch)


def _make_sc_deg():
    scratch = (
        pltpu.VMEM((NCHUNK, CHUNK), jnp.int32),
        pltpu.VMEM((CHUNK, DEGW), jnp.float32),
        pltpu.VMEM_SHARED((N_PAD, DEGW), jnp.float32),
    )

    def fn(dst_hbm, zdeg_hbm, ones_hbm, deg_out, dst_v, ones_v, deg_sh):
        c = lax.axis_index("c")
        s = lax.axis_index("s")
        t = c * NS + s
        base = s * ROWS_PT
        pltpu.sync_copy(zdeg_hbm, deg_sh.at[pl.ds(base, ROWS_PT)])
        pltpu.sync_copy(ones_hbm, ones_v)
        pltpu.sync_copy(dst_hbm.at[t], dst_v)
        plsc.subcore_barrier()

        def step(j, carry):
            pltpu.sync_copy(ones_v, deg_sh.at[dst_v.at[j]], add=True)
            return carry

        nch = jnp.where(c == 0, NCHUNK0, NCHUNK1)
        lax.fori_loop(0, nch, step, 0)
        plsc.subcore_barrier()
        pltpu.sync_copy(deg_sh.at[pl.ds(base, ROWS_PT)],
                        deg_out.at[c, pl.ds(base, ROWS_PT)])

    return pl.kernel(fn,
                     out_type=jax.ShapeDtypeStruct((NC, N_PAD, DEGW),
                                                   jnp.float32),
                     mesh=_MESH, scratch_types=scratch)


_sc_agg = _make_sc_agg()
_sc_deg = _make_sc_deg()

_TCB = 1000


def _make_tc_layer(ln_relu: bool):
    def body(h_ref, a0_ref, a1_ref, d0_ref, d1_ref, ws_ref, wn_ref,
             b_ref, g_ref, be_ref, o_ref):
        agg = a0_ref[0] + a1_ref[0]
        deg = d0_ref[0][:, :1] + d1_ref[0][:, :1]
        mean = agg / jnp.maximum(deg, 1.0)
        z = (jnp.dot(h_ref[...], ws_ref[...],
                     preferred_element_type=jnp.float32)
             + jnp.dot(mean, wn_ref[...],
                       preferred_element_type=jnp.float32)
             + b_ref[...])
        if ln_relu:
            mu = jnp.mean(z, axis=-1, keepdims=True)
            var = jnp.mean((z - mu) ** 2, axis=-1, keepdims=True)
            z = (z - mu) * lax.rsqrt(var + 1e-5) * g_ref[...] + be_ref[...]
            z = jnp.maximum(z, 0.0)
        o_ref[...] = z

    grid = (N_NODES // _TCB,)
    full = pl.BlockSpec((1, D), lambda i: (0, 0))
    return pl.pallas_call(
        body,
        grid=grid,
        in_specs=[
            pl.BlockSpec((_TCB, D), lambda i: (i, 0)),
            pl.BlockSpec((1, _TCB, D), lambda i: (0, i, 0)),
            pl.BlockSpec((1, _TCB, D), lambda i: (1, i, 0)),
            pl.BlockSpec((1, _TCB, DEGW), lambda i: (0, i, 0)),
            pl.BlockSpec((1, _TCB, DEGW), lambda i: (1, i, 0)),
            pl.BlockSpec((D, D), lambda i: (0, 0)),
            pl.BlockSpec((D, D), lambda i: (0, 0)),
            full, full, full,
        ],
        out_specs=pl.BlockSpec((_TCB, D), lambda i: (i, 0)),
        out_shape=jax.ShapeDtypeStruct((N_NODES, D), jnp.float32),
    )


_tc_layer_lnrelu = _make_tc_layer(True)
_tc_layer_plain = _make_tc_layer(False)


def kernel(x, edge_index, W_self0, W_neigh0, b0, g0, be0,
           W_self1, W_neigh1, b1, g1, be1, W_self2, W_neigh2, b2):
    pad = E_PAD - E_EDGES

    def split_edges(v, padval):
        v = jnp.concatenate([v, jnp.full((pad,), padval, jnp.int32)])
        a = v[:NS * EPT0].reshape(NS, NCHUNK0, CHUNK)
        b = v[NS * EPT0:].reshape(NS, NCHUNK1, CHUNK)
        a = jnp.pad(a, ((0, 0), (0, NCHUNK - NCHUNK0), (0, 0)),
                    constant_values=padval)
        b = jnp.pad(b, ((0, 0), (0, NCHUNK - NCHUNK1), (0, 0)),
                    constant_values=padval)
        return jnp.concatenate([a, b], axis=0)

    src = split_edges(edge_index[0], 0)
    dst = split_edges(edge_index[1], DUMMY_DST)

    zacc = jnp.zeros((ROWS_PT, D), jnp.float32)
    zdeg = jnp.zeros((ROWS_PT, DEGW), jnp.float32)
    ones_c = jnp.ones((CHUNK, DEGW), jnp.float32)

    def pad_w(w):
        return jnp.pad(w, ((0, 0), (0, D - N_CLS)))

    ws2 = pad_w(W_self2)
    wn2 = pad_w(W_neigh2)
    b2p = jnp.pad(b2, (0, D - N_CLS))

    r2 = lambda v: v.reshape(1, D)

    deg = _sc_deg(dst, zdeg, ones_c)
    acc0 = _sc_agg(x, src, dst, zacc)
    h1 = _tc_layer_lnrelu(x, acc0, acc0, deg, deg, W_self0, W_neigh0,
                          r2(b0), r2(g0), r2(be0))
    acc1 = _sc_agg(h1, src, dst, zacc)
    h2 = _tc_layer_lnrelu(h1, acc1, acc1, deg, deg, W_self1, W_neigh1,
                          r2(b1), r2(g1), r2(be1))
    acc2 = _sc_agg(h2, src, dst, zacc)
    out = _tc_layer_plain(h2, acc2, acc2, deg, deg, ws2, wn2,
                          r2(b2p), r2(b2p), r2(b2p))
    return out[:, :N_CLS]

# --- scband reference (transcript-rebuilt; emitter-appended) ---
"""Pipeline reference for scband-sage-1709396984374 (READ-ONLY COPY).

The authoritative reference and input builder live on the scoring server;
editing this copy changes nothing except your own understanding.
"""

import jax, jax.numpy as jnp
import numpy as np

N = 10000
E = 320000
D_IN = 128
D_H = 128
N_CLS = 47


def setup_inputs(seed: int = 0) -> dict:
    key = jax.random.key(seed)
    ks = jax.random.split(key, 20)
    s = 0.05
    inp = {
        'x': jax.random.normal(ks[0], (N, D_IN), dtype=jnp.float32),
        'edge_index': jax.random.randint(ks[1], (2, E), 0, N, dtype=jnp.int32),
        'W_self0': jax.random.normal(ks[2], (D_IN, D_H), dtype=jnp.float32) * s,
        'W_neigh0': jax.random.normal(ks[3], (D_IN, D_H), dtype=jnp.float32) * s,
        'b0': jnp.zeros((D_H,), dtype=jnp.float32),
        'g0': jnp.ones((D_H,), dtype=jnp.float32),
        'be0': jnp.zeros((D_H,), dtype=jnp.float32),
        'W_self1': jax.random.normal(ks[4], (D_H, D_H), dtype=jnp.float32) * s,
        'W_neigh1': jax.random.normal(ks[5], (D_H, D_H), dtype=jnp.float32) * s,
        'b1': jnp.zeros((D_H,), dtype=jnp.float32),
        'g1': jnp.ones((D_H,), dtype=jnp.float32),
        'be1': jnp.zeros((D_H,), dtype=jnp.float32),
        'W_self2': jax.random.normal(ks[6], (D_H, N_CLS), dtype=jnp.float32) * s,
        'W_neigh2': jax.random.normal(ks[7], (D_H, N_CLS), dtype=jnp.float32) * s,
        'b2': jnp.zeros((N_CLS,), dtype=jnp.float32),
    }
    return inp


def _sage_conv(h, src, dst, W_self, W_neigh, b):
    # DGL SAGEConv with 'mean' aggregator:
    # out = fc_self(h_dst) + fc_neigh(mean_{u in N(v)} h_src[u]) + bias
    msg = jnp.take(h, src, axis=0)
    agg = jax.ops.segment_sum(msg, dst, num_segments=N)
    deg = jax.ops.segment_sum(jnp.ones((E,), dtype=h.dtype), dst, num_segments=N)
    mean_neigh = agg / jnp.maximum(deg, 1.0)[:, None]
    return h @ W_self + mean_neigh @ W_neigh + b


def _layer_norm(h, gamma, beta, eps=1e-5):
    mu = jnp.mean(h, axis=-1, keepdims=True)
    var = jnp.mean((h - mu) ** 2, axis=-1, keepdims=True)
    return (h - mu) / jnp.sqrt(var + eps) * gamma + beta


def reference(x, edge_index, W_self0, W_neigh0, b0, g0, be0, W_self1, W_neigh1, b1, g1, be1, W_self2, W_neigh2, b2):
    src = edge_index[0]
    dst = edge_index[1]
    h = _sage_conv(x, src, dst, W_self0, W_neigh0, b0)
    h = _layer_norm(h, g0, be0)
    h = jax.nn.relu(h)
    h = _sage_conv(h, src, dst, W_self1, W_neigh1, b1)
    h = _layer_norm(h, g1, be1)
    h = jax.nn.relu(h)
    h = _sage_conv(h, src, dst, W_self2, W_neigh2, b2)
    return h

if __name__ == "__main__":
    import jax
    _d = setup_inputs()
    print(jax.jit(kernel)(*tuple(_d.values())))

</pallas_src>

<mosaic_0001>
#map = affine_map<(d0, d1) -> (0, 0, 0)>
#map1 = affine_map<(d0, d1) -> (0, 0)>
module attributes {stable_mosaic.version = 14 : i64} {
  func.func @fn(%arg0: i32, %arg1: i32, %arg2: memref<32x79x128xi32, #tpu.memory_space<hbm>>, %arg3: memref<640x128xf32, #tpu.memory_space<hbm>>, %arg4: memref<128x128xf32, #tpu.memory_space<hbm>>, %arg5: memref<2x10240x128xf32, #tpu.memory_space<hbm>>, %arg6: memref<79x128xi32, #tpu.memory_space<vmem>>, %arg7: memref<128x128xf32, #tpu.memory_space<vmem>>, %arg8: memref<10240x128xf32, #tpu.memory_space<vmem_shared>>) attributes {dimension_semantics = [#tpu.dimension_semantics<core_parallel>, #tpu.dimension_semantics<subcore_parallel>], iteration_bounds = array<i64: 2, 16>, scalar_prefetch = 0 : i64, scratch_operands = 3 : i64, tpu.core_type = #tpu.core_type<sc_vector_subcore>, window_params = [{transform_indices = #map}, {transform_indices = #map1}, {transform_indices = #map1}, {transform_indices = #map}]} {
    %mul3A = arith.constant 16 : i32
    %mul3A_0 = arith.muli %arg0, %mul3A : i32
    %add3A = arith.addi %mul3A_0, %arg1 : i32
    %mul3A_1 = arith.constant 640 : i32
    %mul3A_2 = arith.muli %arg1, %mul3A_1 : i32
    "tpu.region"() ({
      %run_scoped3A = tpu.sem_alloc : memref<!tpu.dma_semaphore, #tpu.memory_space<semaphore_mem>>
      %dma_start3A = arith.constant 0 : i32
      %dma_start3A_15 = tpu.memref_slice %arg8[%mul3A_2, %dma_start3A] : memref<10240x128xf32, #tpu.memory_space<vmem_shared>> -> memref<640x128xf32, #tpu.memory_space<vmem_shared>>
      tpu.enqueue_dma source(%arg3 : memref<640x128xf32, #tpu.memory_space<hbm>>) target(%dma_start3A_15 : memref<640x128xf32, #tpu.memory_space<vmem_shared>>) target_semaphore(%run_scoped3A : memref<!tpu.dma_semaphore, #tpu.memory_space<semaphore_mem>>)
      %dma_wait3A = arith.constant 0 : i32
      %dma_wait3A_16 = tpu.memref_slice %arg8[%mul3A_2, %dma_wait3A] : memref<10240x128xf32, #tpu.memory_space<vmem_shared>> -> memref<640x128xf32, #tpu.memory_space<vmem_shared>>
      tpu.wait_dma2 semaphore(%run_scoped3A : memref<!tpu.dma_semaphore, #tpu.memory_space<semaphore_mem>>) src(%arg3 : memref<640x128xf32, #tpu.memory_space<hbm>>) dst(%dma_wait3A_16 : memref<640x128xf32, #tpu.memory_space<vmem_shared>>)
      tpu.yield
    }) : () -> ()
    "tpu.region"() ({
      %run_scoped3A = tpu.sem_alloc : memref<!tpu.dma_semaphore, #tpu.memory_space<semaphore_mem>>
      tpu.enqueue_dma source(%arg4 : memref<128x128xf32, #tpu.memory_space<hbm>>) target(%arg7 : memref<128x128xf32, #tpu.memory_space<vmem>>) target_semaphore(%run_scoped3A : memref<!tpu.dma_semaphore, #tpu.memory_space<semaphore_mem>>)
      tpu.wait_dma2 semaphore(%run_scoped3A : memref<!tpu.dma_semaphore, #tpu.memory_space<semaphore_mem>>) src(%arg4 : memref<128x128xf32, #tpu.memory_space<hbm>>) dst(%arg7 : memref<128x128xf32, #tpu.memory_space<vmem>>)
      tpu.yield
    }) : () -> ()
    "tpu.region"() ({
      %run_scoped3A = tpu.sem_alloc : memref<!tpu.dma_semaphore, #tpu.memory_space<semaphore_mem>>
      %dma_start3A = arith.constant 0 : i32
      %dma_start3A_15 = arith.constant 0 : i32
      %dma_start3A_16 = tpu.memref_slice %arg2[%add3A, %dma_start3A, %dma_start3A_15] : memref<32x79x128xi32, #tpu.memory_space<hbm>> -> memref<1x79x128xi32, #tpu.memory_space<hbm>>
      %dma_start3A_17 = tpu.memref_squeeze %dma_start3A_16 : memref<1x79x128xi32, #tpu.memory_space<hbm>> -> memref<79x128xi32, #tpu.memory_space<hbm>>
      %dma_start3A_18 = arith.constant 0 : i32
      %dma_start3A_19 = arith.constant 0 : i32
      %dma_start3A_20 = tpu.memref_slice %arg2[%add3A, %dma_start3A_18, %dma_start3A_19] : memref<32x79x128xi32, #tpu.memory_space<hbm>> -> memref<1x79x128xi32, #tpu.memory_space<hbm>>
      %dma_start3A_21 = tpu.memref_squeeze %dma_start3A_20 : memref<1x79x128xi32, #tpu.memory_space<hbm>> -> memref<79x128xi32, #tpu.memory_space<hbm>>
      tpu.enqueue_dma source(%dma_start3A_21 : memref<79x128xi32, #tpu.memory_space<hbm>>) target(%arg6 : memref<79x128xi32, #tpu.memory_space<vmem>>) target_semaphore(%run_scoped3A : memref<!tpu.dma_semaphore, #tpu.memory_space<semaphore_mem>>)
      %dma_wait3A = arith.constant 0 : i32
      %dma_wait3A_22 = arith.constant 0 : i32
      %dma_wait3A_23 = tpu.memref_slice %arg2[%add3A, %dma_wait3A, %dma_wait3A_22] : memref<32x79x128xi32, #tpu.memory_space<hbm>> -> memref<1x79x128xi32, #tpu.memory_space<hbm>>
      %dma_wait3A_24 = tpu.memref_squeeze %dma_wait3A_23 : memref<1x79x128xi32, #tpu.memory_space<hbm>> -> memref<79x128xi32, #tpu.memory_space<hbm>>
      %dma_wait3A_25 = arith.constant 0 : i32
      %dma_wait3A_26 = arith.constant 0 : i32
      %dma_wait3A_27 = tpu.memref_slice %arg2[%add3A, %dma_wait3A_25, %dma_wait3A_26] : memref<32x79x128xi32, #tpu.memory_space<hbm>> -> memref<1x79x128xi32, #tpu.memory_space<hbm>>
      %dma_wait3A_28 = tpu.memref_squeeze %dma_wait3A_27 : memref<1x79x128xi32, #tpu.memory_space<hbm>> -> memref<79x128xi32, #tpu.memory_space<hbm>>
      tpu.wait_dma2 semaphore(%run_scoped3A : memref<!tpu.dma_semaphore, #tpu.memory_space<semaphore_mem>>) src(%dma_wait3A_28 : memref<79x128xi32, #tpu.memory_space<hbm>>) dst(%arg6 : memref<79x128xi32, #tpu.memory_space<vmem>>)
      tpu.yield
    }) : () -> ()
    %barrier3A = arith.constant 0 : index
    tpu.barrier barrier_id(%barrier3A)
    %eq3A = arith.constant 0 : i32
    %eq3A_3 = arith.cmpi eq, %arg0, %eq3A : i32
    %jit3A = arith.constant 78 : i32
    %jit3A_4 = arith.constant 79 : i32
    %select_n3A = arith.select %eq3A_3, %jit3A, %jit3A_4 : i32
    %while3A = arith.constant 0 : i32
    %while3A_5 = arith.constant 0 : i32
    %while3A_6 = arith.subi %select_n3A, %while3A_5 : i32
    %while3A_7 = arith.addi %while3A_5, %while3A_6 : i32
    %while3A_8 = arith.constant 1 : i32
    %while3A_9 = arith.divsi %while3A_6, %while3A_8 : i32
    %while3A_10 = arith.muli %while3A_9, %while3A_8 : i32
    %while3A_11 = arith.addi %while3A_5, %while3A_10 : i32
    %while3A_12 = arith.constant 1 : i32
    scf.for %while3A_15 = %while3A_5 to %while3A_11 step %while3A_12  : i32 {
      "tpu.region"() ({
        %run_scoped3A = tpu.sem_alloc : memref<!tpu.dma_semaphore, #tpu.memory_space<semaphore_mem>>
        %dma_start3A = arith.constant 0 : i32
        %dma_start3A_16 = tpu.memref_slice %arg6[%while3A_15, %dma_start3A] : memref<79x128xi32, #tpu.memory_space<vmem>> -> memref<1x128xi32, #tpu.memory_space<vmem>>
        %dma_start3A_17 = tpu.memref_squeeze %dma_start3A_16 : memref<1x128xi32, #tpu.memory_space<vmem>> -> memref<128xi32, #tpu.memory_space<vmem>>
        %dma_start3A_18 = arith.constant 0 : i32
        %dma_start3A_19 = arith.constant 0 : i32
        %dma_start3A_20 = tpu.memref_slice %arg8[%dma_start3A_18, %dma_start3A_19] : memref<10240x128xf32, #tpu.memory_space<vmem_shared>> -> memref<10240x128xf32, #tpu.memory_space<vmem_shared>>
        tpu.enqueue_indirect_dma source(%arg7 : memref<128x128xf32, #tpu.memory_space<vmem>>) target(%dma_start3A_20 : memref<10240x128xf32, #tpu.memory_space<vmem_shared>>) offsets(%dma_start3A_17 : memref<128xi32, #tpu.memory_space<vmem>>) semaphore(%run_scoped3A : memref<!tpu.dma_semaphore, #tpu.memory_space<semaphore_mem>>) {add = true}
        %dma_wait3A = arith.constant 0 : i32
        %dma_wait3A_21 = tpu.memref_slice %arg6[%while3A_15, %dma_wait3A] : memref<79x128xi32, #tpu.memory_space<vmem>> -> memref<1x128xi32, #tpu.memory_space<vmem>>
        %dma_wait3A_22 = tpu.memref_squeeze %dma_wait3A_21 : memref<1x128xi32, #tpu.memory_space<vmem>> -> memref<128xi32, #tpu.memory_space<vmem>>
        %dma_wait3A_23 = arith.constant 0 : i32
        %dma_wait3A_24 = arith.constant 0 : i32
        %dma_wait3A_25 = tpu.memref_slice %arg8[%dma_wait3A_23, %dma_wait3A_24] : memref<10240x128xf32, #tpu.memory_space<vmem_shared>> -> memref<10240x128xf32, #tpu.memory_space<vmem_shared>>
        tpu.wait_indirect_dma semaphore(%run_scoped3A : memref<!tpu.dma_semaphore, #tpu.memory_space<semaphore_mem>>) src(%arg7 : memref<128x128xf32, #tpu.memory_space<vmem>>) dst(%dma_wait3A_25 : memref<10240x128xf32, #tpu.memory_space<vmem_shared>>)
        tpu.yield
      }) : () -> ()
    }
    %while3A_13 = arith.constant 1 : i32
    scf.for %while3A_15 = %while3A_11 to %while3A_7 step %while3A_13  : i32 {
      "tpu.region"() ({
        %run_scoped3A = tpu.sem_alloc : memref<!tpu.dma_semaphore, #tpu.memory_space<semaphore_mem>>
        %dma_start3A = arith.constant 0 : i32
        %dma_start3A_16 = tpu.memref_slice %arg6[%while3A_15, %dma_start3A] : memref<79x128xi32, #tpu.memory_space<vmem>> -> memref<1x128xi32, #tpu.memory_space<vmem>>
        %dma_start3A_17 = tpu.memref_squeeze %dma_start3A_16 : memref<1x128xi32, #tpu.memory_space<vmem>> -> memref<128xi32, #tpu.memory_space<vmem>>
        %dma_start3A_18 = arith.constant 0 : i32
        %dma_start3A_19 = arith.constant 0 : i32
        %dma_start3A_20 = tpu.memref_slice %arg8[%dma_start3A_18, %dma_start3A_19] : memref<10240x128xf32, #tpu.memory_space<vmem_shared>> -> memref<10240x128xf32, #tpu.memory_space<vmem_shared>>
        tpu.enqueue_indirect_dma source(%arg7 : memref<128x128xf32, #tpu.memory_space<vmem>>) target(%dma_start3A_20 : memref<10240x128xf32, #tpu.memory_space<vmem_shared>>) offsets(%dma_start3A_17 : memref<128xi32, #tpu.memory_space<vmem>>) semaphore(%run_scoped3A : memref<!tpu.dma_semaphore, #tpu.memory_space<semaphore_mem>>) {add = true}
        %dma_wait3A = arith.constant 0 : i32
        %dma_wait3A_21 = tpu.memref_slice %arg6[%while3A_15, %dma_wait3A] : memref<79x128xi32, #tpu.memory_space<vmem>> -> memref<1x128xi32, #tpu.memory_space<vmem>>
        %dma_wait3A_22 = tpu.memref_squeeze %dma_wait3A_21 : memref<1x128xi32, #tpu.memory_space<vmem>> -> memref<128xi32, #tpu.memory_space<vmem>>
        %dma_wait3A_23 = arith.constant 0 : i32
        %dma_wait3A_24 = arith.constant 0 : i32
        %dma_wait3A_25 = tpu.memref_slice %arg8[%dma_wait3A_23, %dma_wait3A_24] : memref<10240x128xf32, #tpu.memory_space<vmem_shared>> -> memref<10240x128xf32, #tpu.memory_space<vmem_shared>>
        tpu.wait_indirect_dma semaphore(%run_scoped3A : memref<!tpu.dma_semaphore, #tpu.memory_space<semaphore_mem>>) src(%arg7 : memref<128x128xf32, #tpu.memory_space<vmem>>) dst(%dma_wait3A_25 : memref<10240x128xf32, #tpu.memory_space<vmem_shared>>)
        tpu.yield
      }) : () -> ()
    }
    %barrier3A_14 = arith.constant 0 : index
    tpu.barrier barrier_id(%barrier3A_14)
    "tpu.region"() ({
      %run_scoped3A = tpu.sem_alloc : memref<!tpu.dma_semaphore, #tpu.memory_space<semaphore_mem>>
      %dma_start3A = arith.constant 0 : i32
      %dma_start3A_15 = tpu.memref_slice %arg5[%arg0, %mul3A_2, %dma_start3A] : memref<2x10240x128xf32, #tpu.memory_space<hbm>> -> memref<1x640x128xf32, #tpu.memory_space<hbm>>
      %dma_start3A_16 = tpu.memref_squeeze %dma_start3A_15 : memref<1x640x128xf32, #tpu.memory_space<hbm>> -> memref<640x128xf32, #tpu.memory_space<hbm>>
      %dma_start3A_17 = arith.constant 0 : i32
      %dma_start3A_18 = tpu.memref_slice %arg8[%mul3A_2, %dma_start3A_17] : memref<10240x128xf32, #tpu.memory_space<vmem_shared>> -> memref<640x128xf32, #tpu.memory_space<vmem_shared>>
      tpu.enqueue_dma source(%dma_start3A_18 : memref<640x128xf32, #tpu.memory_space<vmem_shared>>) target(%dma_start3A_16 : memref<640x128xf32, #tpu.memory_space<hbm>>) target_semaphore(%run_scoped3A : memref<!tpu.dma_semaphore, #tpu.memory_space<semaphore_mem>>)
      %dma_wait3A = arith.constant 0 : i32
      %dma_wait3A_19 = tpu.memref_slice %arg5[%arg0, %mul3A_2, %dma_wait3A] : memref<2x10240x128xf32, #tpu.memory_space<hbm>> -> memref<1x640x128xf32, #tpu.memory_space<hbm>>
      %dma_wait3A_20 = tpu.memref_squeeze %dma_wait3A_19 : memref<1x640x128xf32, #tpu.memory_space<hbm>> -> memref<640x128xf32, #tpu.memory_space<hbm>>
      %dma_wait3A_21 = arith.constant 0 : i32
      %dma_wait3A_22 = tpu.memref_slice %arg8[%mul3A_2, %dma_wait3A_21] : memref<10240x128xf32, #tpu.memory_space<vmem_shared>> -> memref<640x128xf32, #tpu.memory_space<vmem_shared>>
      tpu.wait_dma2 semaphore(%run_scoped3A : memref<!tpu.dma_semaphore, #tpu.memory_space<semaphore_mem>>) src(%dma_wait3A_22 : memref<640x128xf32, #tpu.memory_space<vmem_shared>>) dst(%dma_wait3A_20 : memref<640x128xf32, #tpu.memory_space<hbm>>)
      tpu.yield
    }) : () -> ()
    return
  }
}

#map = affine_map<(d0, d1) -> (0, 0)>
#map1 = affine_map<(d0, d1) -> (0, 0, 0)>
module attributes {stable_mosaic.version = 14 : i64} {
  func.func @fn(%arg0: i32, %arg1: i32, %arg2: memref<10000x128xf32, #tpu.memory_space<hbm>>, %arg3: memref<32x79x128xi32, #tpu.memory_space<hbm>>, %arg4: memref<32x79x128xi32, #tpu.memory_space<hbm>>, %arg5: memref<640x128xf32, #tpu.memory_space<hbm>>, %arg6: memref<2x10240x128xf32, #tpu.memory_space<hbm>>, %arg7: memref<79x128xi32, #tpu.memory_space<vmem>>, %arg8: memref<79x128xi32, #tpu.memory_space<vmem>>, %arg9: memref<128x128xf32, #tpu.memory_space<vmem>>, %arg10: memref<10240x128xf32, #tpu.memory_space<vmem_shared>>) attributes {dimension_semantics = [#tpu.dimension_semantics<core_parallel>, #tpu.dimension_semantics<subcore_parallel>], iteration_bounds = array<i64: 2, 16>, scalar_prefetch = 0 : i64, scratch_operands = 4 : i64, tpu.core_type = #tpu.core_type<sc_vector_subcore>, window_params = [{transform_indices = #map}, {transform_indices = #map1}, {transform_indices = #map1}, {transform_indices = #map}, {transform_indices = #map1}]} {
    %mul3A = arith.constant 16 : i32
    %mul3A_0 = arith.muli %arg0, %mul3A : i32
    %add3A = arith.addi %mul3A_0, %arg1 : i32
    %mul3A_1 = arith.constant 640 : i32
    %mul3A_2 = arith.muli %arg1, %mul3A_1 : i32
    "tpu.region"() ({
      %run_scoped3A = tpu.sem_alloc : memref<!tpu.dma_semaphore, #tpu.memory_space<semaphore_mem>>
      %dma_start3A = arith.constant 0 : i32
      %dma_start3A_15 = tpu.memref_slice %arg10[%mul3A_2, %dma_start3A] : memref<10240x128xf32, #tpu.memory_space<vmem_shared>> -> memref<640x128xf32, #tpu.memory_space<vmem_shared>>
      tpu.enqueue_dma source(%arg5 : memref<640x128xf32, #tpu.memory_space<hbm>>) target(%dma_start3A_15 : memref<640x128xf32, #tpu.memory_space<vmem_shared>>) target_semaphore(%run_scoped3A : memref<!tpu.dma_semaphore, #tpu.memory_space<semaphore_mem>>)
      %dma_wait3A = arith.constant 0 : i32
      %dma_wait3A_16 = tpu.memref_slice %arg10[%mul3A_2, %dma_wait3A] : memref<10240x128xf32, #tpu.memory_space<vmem_shared>> -> memref<640x128xf32, #tpu.memory_space<vmem_shared>>
      tpu.wait_dma2 semaphore(%run_scoped3A : memref<!tpu.dma_semaphore, #tpu.memory_space<semaphore_mem>>) src(%arg5 : memref<640x128xf32, #tpu.memory_space<hbm>>) dst(%dma_wait3A_16 : memref<640x128xf32, #tpu.memory_space<vmem_shared>>)
      tpu.yield
    }) : () -> ()
    "tpu.region"() ({
      %run_scoped3A = tpu.sem_alloc : memref<!tpu.dma_semaphore, #tpu.memory_space<semaphore_mem>>
      %dma_start3A = arith.constant 0 : i32
      %dma_start3A_15 = arith.constant 0 : i32
      %dma_start3A_16 = tpu.memref_slice %arg3[%add3A, %dma_start3A, %dma_start3A_15] : memref<32x79x128xi32, #tpu.memory_space<hbm>> -> memref<1x79x128xi32, #tpu.memory_space<hbm>>
      %dma_start3A_17 = tpu.memref_squeeze %dma_start3A_16 : memref<1x79x128xi32, #tpu.memory_space<hbm>> -> memref<79x128xi32, #tpu.memory_space<hbm>>
      %dma_start3A_18 = arith.constant 0 : i32
      %dma_start3A_19 = arith.constant 0 : i32
      %dma_start3A_20 = tpu.memref_slice %arg3[%add3A, %dma_start3A_18, %dma_start3A_19] : memref<32x79x128xi32, #tpu.memory_space<hbm>> -> memref<1x79x128xi32, #tpu.memory_space<hbm>>
      %dma_start3A_21 = tpu.memref_squeeze %dma_start3A_20 : memref<1x79x128xi32, #tpu.memory_space<hbm>> -> memref<79x128xi32, #tpu.memory_space<hbm>>
      tpu.enqueue_dma source(%dma_start3A_21 : memref<79x128xi32, #tpu.memory_space<hbm>>) target(%arg7 : memref<79x128xi32, #tpu.memory_space<vmem>>) target_semaphore(%run_scoped3A : memref<!tpu.dma_semaphore, #tpu.memory_space<semaphore_mem>>)
      %dma_wait3A = arith.constant 0 : i32
      %dma_wait3A_22 = arith.constant 0 : i32
      %dma_wait3A_23 = tpu.memref_slice %arg3[%add3A, %dma_wait3A, %dma_wait3A_22] : memref<32x79x128xi32, #tpu.memory_space<hbm>> -> memref<1x79x128xi32, #tpu.memory_space<hbm>>
      %dma_wait3A_24 = tpu.memref_squeeze %dma_wait3A_23 : memref<1x79x128xi32, #tpu.memory_space<hbm>> -> memref<79x128xi32, #tpu.memory_space<hbm>>
      %dma_wait3A_25 = arith.constant 0 : i32
      %dma_wait3A_26 = arith.constant 0 : i32
      %dma_wait3A_27 = tpu.memref_slice %arg3[%add3A, %dma_wait3A_25, %dma_wait3A_26] : memref<32x79x128xi32, #tpu.memory_space<hbm>> -> memref<1x79x128xi32, #tpu.memory_space<hbm>>
      %dma_wait3A_28 = tpu.memref_squeeze %dma_wait3A_27 : memref<1x79x128xi32, #tpu.memory_space<hbm>> -> memref<79x128xi32, #tpu.memory_space<hbm>>
      tpu.wait_dma2 semaphore(%run_scoped3A : memref<!tpu.dma_semaphore, #tpu.memory_space<semaphore_mem>>) src(%dma_wait3A_28 : memref<79x128xi32, #tpu.memory_space<hbm>>) dst(%arg7 : memref<79x128xi32, #tpu.memory_space<vmem>>)
      tpu.yield
    }) : () -> ()
    "tpu.region"() ({
      %run_scoped3A = tpu.sem_alloc : memref<!tpu.dma_semaphore, #tpu.memory_space<semaphore_mem>>
      %dma_start3A = arith.constant 0 : i32
      %dma_start3A_15 = arith.constant 0 : i32
      %dma_start3A_16 = tpu.memref_slice %arg4[%add3A, %dma_start3A, %dma_start3A_15] : memref<32x79x128xi32, #tpu.memory_space<hbm>> -> memref<1x79x128xi32, #tpu.memory_space<hbm>>
      %dma_start3A_17 = tpu.memref_squeeze %dma_start3A_16 : memref<1x79x128xi32, #tpu.memory_space<hbm>> -> memref<79x128xi32, #tpu.memory_space<hbm>>
      %dma_start3A_18 = arith.constant 0 : i32
      %dma_start3A_19 = arith.constant 0 : i32
      %dma_start3A_20 = tpu.memref_slice %arg4[%add3A, %dma_start3A_18, %dma_start3A_19] : memref<32x79x128xi32, #tpu.memory_space<hbm>> -> memref<1x79x128xi32, #tpu.memory_space<hbm>>
      %dma_start3A_21 = tpu.memref_squeeze %dma_start3A_20 : memref<1x79x128xi32, #tpu.memory_space<hbm>> -> memref<79x128xi32, #tpu.memory_space<hbm>>
      tpu.enqueue_dma source(%dma_start3A_21 : memref<79x128xi32, #tpu.memory_space<hbm>>) target(%arg8 : memref<79x128xi32, #tpu.memory_space<vmem>>) target_semaphore(%run_scoped3A : memref<!tpu.dma_semaphore, #tpu.memory_space<semaphore_mem>>)
      %dma_wait3A = arith.constant 0 : i32
      %dma_wait3A_22 = arith.constant 0 : i32
      %dma_wait3A_23 = tpu.memref_slice %arg4[%add3A, %dma_wait3A, %dma_wait3A_22] : memref<32x79x128xi32, #tpu.memory_space<hbm>> -> memref<1x79x128xi32, #tpu.memory_space<hbm>>
      %dma_wait3A_24 = tpu.memref_squeeze %dma_wait3A_23 : memref<1x79x128xi32, #tpu.memory_space<hbm>> -> memref<79x128xi32, #tpu.memory_space<hbm>>
      %dma_wait3A_25 = arith.constant 0 : i32
      %dma_wait3A_26 = arith.constant 0 : i32
      %dma_wait3A_27 = tpu.memref_slice %arg4[%add3A, %dma_wait3A_25, %dma_wait3A_26] : memref<32x79x128xi32, #tpu.memory_space<hbm>> -> memref<1x79x128xi32, #tpu.memory_space<hbm>>
      %dma_wait3A_28 = tpu.memref_squeeze %dma_wait3A_27 : memref<1x79x128xi32, #tpu.memory_space<hbm>> -> memref<79x128xi32, #tpu.memory_space<hbm>>
      tpu.wait_dma2 semaphore(%run_scoped3A : memref<!tpu.dma_semaphore, #tpu.memory_space<semaphore_mem>>) src(%dma_wait3A_28 : memref<79x128xi32, #tpu.memory_space<hbm>>) dst(%arg8 : memref<79x128xi32, #tpu.memory_space<vmem>>)
      tpu.yield
    }) : () -> ()
    %barrier3A = arith.constant 0 : index
    tpu.barrier barrier_id(%barrier3A)
    %eq3A = arith.constant 0 : i32
    %eq3A_3 = arith.cmpi eq, %arg0, %eq3A : i32
    %jit3A = arith.constant 78 : i32
    %jit3A_4 = arith.constant 79 : i32
    %select_n3A = arith.select %eq3A_3, %jit3A, %jit3A_4 : i32
    %while3A = arith.constant 0 : i32
    %while3A_5 = arith.constant 0 : i32
    %while3A_6 = arith.subi %select_n3A, %while3A_5 : i32
    %while3A_7 = arith.addi %while3A_5, %while3A_6 : i32
    %while3A_8 = arith.constant 1 : i32
    %while3A_9 = arith.divsi %while3A_6, %while3A_8 : i32
    %while3A_10 = arith.muli %while3A_9, %while3A_8 : i32
    %while3A_11 = arith.addi %while3A_5, %while3A_10 : i32
    %while3A_12 = arith.constant 1 : i32
    scf.for %while3A_15 = %while3A_5 to %while3A_11 step %while3A_12  : i32 {
      "tpu.region"() ({
        %run_scoped3A = tpu.sem_alloc : memref<!tpu.dma_semaphore, #tpu.memory_space<semaphore_mem>>
        %dma_start3A = arith.constant 0 : i32
        %dma_start3A_16 = tpu.memref_slice %arg7[%while3A_15, %dma_start3A] : memref<79x128xi32, #tpu.memory_space<vmem>> -> memref<1x128xi32, #tpu.memory_space<vmem>>
        %dma_start3A_17 = tpu.memref_squeeze %dma_start3A_16 : memref<1x128xi32, #tpu.memory_space<vmem>> -> memref<128xi32, #tpu.memory_space<vmem>>
        %dma_start3A_18 = arith.constant 0 : i32
        %dma_start3A_19 = arith.constant 0 : i32
        %dma_start3A_20 = tpu.memref_slice %arg2[%dma_start3A_18, %dma_start3A_19] : memref<10000x128xf32, #tpu.memory_space<hbm>> -> memref<10000x128xf32, #tpu.memory_space<hbm>>
        tpu.enqueue_indirect_dma source(%dma_start3A_20 : memref<10000x128xf32, #tpu.memory_space<hbm>>) target(%arg9 : memref<128x128xf32, #tpu.memory_space<vmem>>) offsets(%dma_start3A_17 : memref<128xi32, #tpu.memory_space<vmem>>) semaphore(%run_scoped3A : memref<!tpu.dma_semaphore, #tpu.memory_space<semaphore_mem>>)
        %dma_wait3A = arith.constant 0 : i32
        %dma_wait3A_21 = tpu.memref_slice %arg7[%while3A_15, %dma_wait3A] : memref<79x128xi32, #tpu.memory_space<vmem>> -> memref<1x128xi32, #tpu.memory_space<vmem>>
        %dma_wait3A_22 = tpu.memref_squeeze %dma_wait3A_21 : memref<1x128xi32, #tpu.memory_space<vmem>> -> memref<128xi32, #tpu.memory_space<vmem>>
        %dma_wait3A_23 = arith.constant 0 : i32
        %dma_wait3A_24 = arith.constant 0 : i32
        %dma_wait3A_25 = tpu.memref_slice %arg2[%dma_wait3A_23, %dma_wait3A_24] : memref<10000x128xf32, #tpu.memory_space<hbm>> -> memref<10000x128xf32, #tpu.memory_space<hbm>>
        tpu.wait_indirect_dma semaphore(%run_scoped3A : memref<!tpu.dma_semaphore, #tpu.memory_space<semaphore_mem>>) src(%dma_wait3A_25 : memref<10000x128xf32, #tpu.memory_space<hbm>>) dst(%arg9 : memref<128x128xf32, #tpu.memory_space<vmem>>)
        tpu.yield
      }) : () -> ()
      "tpu.region"() ({
        %run_scoped3A = tpu.sem_alloc : memref<!tpu.dma_semaphore, #tpu.memory_space<semaphore_mem>>
        %dma_start3A = arith.constant 0 : i32
        %dma_start3A_16 = tpu.memref_slice %arg8[%while3A_15, %dma_start3A] : memref<79x128xi32, #tpu.memory_space<vmem>> -> memref<1x128xi32, #tpu.memory_space<vmem>>
        %dma_start3A_17 = tpu.memref_squeeze %dma_start3A_16 : memref<1x128xi32, #tpu.memory_space<vmem>> -> memref<128xi32, #tpu.memory_space<vmem>>
        %dma_start3A_18 = arith.constant 0 : i32
        %dma_start3A_19 = arith.constant 0 : i32
        %dma_start3A_20 = tpu.memref_slice %arg10[%dma_start3A_18, %dma_start3A_19] : memref<10240x128xf32, #tpu.memory_space<vmem_shared>> -> memref<10240x128xf32, #tpu.memory_space<vmem_shared>>
        tpu.enqueue_indirect_dma source(%arg9 : memref<128x128xf32, #tpu.memory_space<vmem>>) target(%dma_start3A_20 : memref<10240x128xf32, #tpu.memory_space<vmem_shared>>) offsets(%dma_start3A_17 : memref<128xi32, #tpu.memory_space<vmem>>) semaphore(%run_scoped3A : memref<!tpu.dma_semaphore, #tpu.memory_space<semaphore_mem>>) {add = true}
        %dma_wait3A = arith.constant 0 : i32
        %dma_wait3A_21 = tpu.memref_slice %arg8[%while3A_15, %dma_wait3A] : memref<79x128xi32, #tpu.memory_space<vmem>> -> memref<1x128xi32, #tpu.memory_space<vmem>>
        %dma_wait3A_22 = tpu.memref_squeeze %dma_wait3A_21 : memref<1x128xi32, #tpu.memory_space<vmem>> -> memref<128xi32, #tpu.memory_space<vmem>>
        %dma_wait3A_23 = arith.constant 0 : i32
        %dma_wait3A_24 = arith.constant 0 : i32
        %dma_wait3A_25 = tpu.memref_slice %arg10[%dma_wait3A_23, %dma_wait3A_24] : memref<10240x128xf32, #tpu.memory_space<vmem_shared>> -> memref<10240x128xf32, #tpu.memory_space<vmem_shared>>
        tpu.wait_indirect_dma semaphore(%run_scoped3A : memref<!tpu.dma_semaphore, #tpu.memory_space<semaphore_mem>>) src(%arg9 : memref<128x128xf32, #tpu.memory_space<vmem>>) dst(%dma_wait3A_25 : memref<10240x128xf32, #tpu.memory_space<vmem_shared>>)
        tpu.yield
      }) : () -> ()
    }
    %while3A_13 = arith.constant 1 : i32
    scf.for %while3A_15 = %while3A_11 to %while3A_7 step %while3A_13  : i32 {
      "tpu.region"() ({
        %run_scoped3A = tpu.sem_alloc : memref<!tpu.dma_semaphore, #tpu.memory_space<semaphore_mem>>
        %dma_start3A = arith.constant 0 : i32
        %dma_start3A_16 = tpu.memref_slice %arg7[%while3A_15, %dma_start3A] : memref<79x128xi32, #tpu.memory_space<vmem>> -> memref<1x128xi32, #tpu.memory_space<vmem>>
        %dma_start3A_17 = tpu.memref_squeeze %dma_start3A_16 : memref<1x128xi32, #tpu.memory_space<vmem>> -> memref<128xi32, #tpu.memory_space<vmem>>
        %dma_start3A_18 = arith.constant 0 : i32
        %dma_start3A_19 = arith.constant 0 : i32
        %dma_start3A_20 = tpu.memref_slice %arg2[%dma_start3A_18, %dma_start3A_19] : memref<10000x128xf32, #tpu.memory_space<hbm>> -> memref<10000x128xf32, #tpu.memory_space<hbm>>
        tpu.enqueue_indirect_dma source(%dma_start3A_20 : memref<10000x128xf32, #tpu.memory_space<hbm>>) target(%arg9 : memref<128x128xf32, #tpu.memory_space<vmem>>) offsets(%dma_start3A_17 : memref<128xi32, #tpu.memory_space<vmem>>) semaphore(%run_scoped3A : memref<!tpu.dma_semaphore, #tpu.memory_space<semaphore_mem>>)
        %dma_wait3A = arith.constant 0 : i32
        %dma_wait3A_21 = tpu.memref_slice %arg7[%while3A_15, %dma_wait3A] : memref<79x128xi32, #tpu.memory_space<vmem>> -> memref<1x128xi32, #tpu.memory_space<vmem>>
        %dma_wait3A_22 = tpu.memref_squeeze %dma_wait3A_21 : memref<1x128xi32, #tpu.memory_space<vmem>> -> memref<128xi32, #tpu.memory_space<vmem>>
        %dma_wait3A_23 = arith.constant 0 : i32
        %dma_wait3A_24 = arith.constant 0 : i32
        %dma_wait3A_25 = tpu.memref_slice %arg2[%dma_wait3A_23, %dma_wait3A_24] : memref<10000x128xf32, #tpu.memory_space<hbm>> -> memref<10000x128xf32, #tpu.memory_space<hbm>>
        tpu.wait_indirect_dma semaphore(%run_scoped3A : memref<!tpu.dma_semaphore, #tpu.memory_space<semaphore_mem>>) src(%dma_wait3A_25 : memref<10000x128xf32, #tpu.memory_space<hbm>>) dst(%arg9 : memref<128x128xf32, #tpu.memory_space<vmem>>)
        tpu.yield
      }) : () -> ()
      "tpu.region"() ({
        %run_scoped3A = tpu.sem_alloc : memref<!tpu.dma_semaphore, #tpu.memory_space<semaphore_mem>>
        %dma_start3A = arith.constant 0 : i32
        %dma_start3A_16 = tpu.memref_slice %arg8[%while3A_15, %dma_start3A] : memref<79x128xi32, #tpu.memory_space<vmem>> -> memref<1x128xi32, #tpu.memory_space<vmem>>
        %dma_start3A_17 = tpu.memref_squeeze %dma_start3A_16 : memref<1x128xi32, #tpu.memory_space<vmem>> -> memref<128xi32, #tpu.memory_space<vmem>>
        %dma_start3A_18 = arith.constant 0 : i32
        %dma_start3A_19 = arith.constant 0 : i32
        %dma_start3A_20 = tpu.memref_slice %arg10[%dma_start3A_18, %dma_start3A_19] : memref<10240x128xf32, #tpu.memory_space<vmem_shared>> -> memref<10240x128xf32, #tpu.memory_space<vmem_shared>>
        tpu.enqueue_indirect_dma source(%arg9 : memref<128x128xf32, #tpu.memory_space<vmem>>) target(%dma_start3A_20 : memref<10240x128xf32, #tpu.memory_space<vmem_shared>>) offsets(%dma_start3A_17 : memref<128xi32, #tpu.memory_space<vmem>>) semaphore(%run_scoped3A : memref<!tpu.dma_semaphore, #tpu.memory_space<semaphore_mem>>) {add = true}
        %dma_wait3A = arith.constant 0 : i32
        %dma_wait3A_21 = tpu.memref_slice %arg8[%while3A_15, %dma_wait3A] : memref<79x128xi32, #tpu.memory_space<vmem>> -> memref<1x128xi32, #tpu.memory_space<vmem>>
        %dma_wait3A_22 = tpu.memref_squeeze %dma_wait3A_21 : memref<1x128xi32, #tpu.memory_space<vmem>> -> memref<128xi32, #tpu.memory_space<vmem>>
        %dma_wait3A_23 = arith.constant 0 : i32
        %dma_wait3A_24 = arith.constant 0 : i32
        %dma_wait3A_25 = tpu.memref_slice %arg10[%dma_wait3A_23, %dma_wait3A_24] : memref<10240x128xf32, #tpu.memory_space<vmem_shared>> -> memref<10240x128xf32, #tpu.memory_space<vmem_shared>>
        tpu.wait_indirect_dma semaphore(%run_scoped3A : memref<!tpu.dma_semaphore, #tpu.memory_space<semaphore_mem>>) src(%arg9 : memref<128x128xf32, #tpu.memory_space<vmem>>) dst(%dma_wait3A_25 : memref<10240x128xf32, #tpu.memory_space<vmem_shared>>)
        tpu.yield
      }) : () -> ()
    }
    %barrier3A_14 = arith.constant 0 : index
    tpu.barrier barrier_id(%barrier3A_14)
    "tpu.region"() ({
      %run_scoped3A = tpu.sem_alloc : memref<!tpu.dma_semaphore, #tpu.memory_space<semaphore_mem>>
      %dma_start3A = arith.constant 0 : i32
      %dma_start3A_15 = tpu.memref_slice %arg6[%arg0, %mul3A_2, %dma_start3A] : memref<2x10240x128xf32, #tpu.memory_space<hbm>> -> memref<1x640x128xf32, #tpu.memory_space<hbm>>
      %dma_start3A_16 = tpu.memref_squeeze %dma_start3A_15 : memref<1x640x128xf32, #tpu.memory_space<hbm>> -> memref<640x128xf32, #tpu.memory_space<hbm>>
      %dma_start3A_17 = arith.constant 0 : i32
      %dma_start3A_18 = tpu.memref_slice %arg10[%mul3A_2, %dma_start3A_17] : memref<10240x128xf32, #tpu.memory_space<vmem_shared>> -> memref<640x128xf32, #tpu.memory_space<vmem_shared>>
      tpu.enqueue_dma source(%dma_start3A_18 : memref<640x128xf32, #tpu.memory_space<vmem_shared>>) target(%dma_start3A_16 : memref<640x128xf32, #tpu.memory_space<hbm>>) target_semaphore(%run_scoped3A : memref<!tpu.dma_semaphore, #tpu.memory_space<semaphore_mem>>)
      %dma_wait3A = arith.constant 0 : i32
      %dma_wait3A_19 = tpu.memref_slice %arg6[%arg0, %mul3A_2, %dma_wait3A] : memref<2x10240x128xf32, #tpu.memory_space<hbm>> -> memref<1x640x128xf32, #tpu.memory_space<hbm>>
      %dma_wait3A_20 = tpu.memref_squeeze %dma_wait3A_19 : memref<1x640x128xf32, #tpu.memory_space<hbm>> -> memref<640x128xf32, #tpu.memory_space<hbm>>
      %dma_wait3A_21 = arith.constant 0 : i32
      %dma_wait3A_22 = tpu.memref_slice %arg10[%mul3A_2, %dma_wait3A_21] : memref<10240x128xf32, #tpu.memory_space<vmem_shared>> -> memref<640x128xf32, #tpu.memory_space<vmem_shared>>
      tpu.wait_dma2 semaphore(%run_scoped3A : memref<!tpu.dma_semaphore, #tpu.memory_space<semaphore_mem>>) src(%dma_wait3A_22 : memref<640x128xf32, #tpu.memory_space<vmem_shared>>) dst(%dma_wait3A_20 : memref<640x128xf32, #tpu.memory_space<hbm>>)
      tpu.yield
    }) : () -> ()
    return
  }
}

#map = affine_map<(d0, d1) -> (0, 0)>
#map1 = affine_map<(d0, d1) -> (0, 0, 0)>
module attributes {stable_mosaic.version = 14 : i64} {
  func.func @fn(%arg0: i32, %arg1: i32, %arg2: memref<10000x128xf32, #tpu.memory_space<hbm>>, %arg3: memref<32x79x128xi32, #tpu.memory_space<hbm>>, %arg4: memref<32x79x128xi32, #tpu.memory_space<hbm>>, %arg5: memref<640x128xf32, #tpu.memory_space<hbm>>, %arg6: memref<2x10240x128xf32, #tpu.memory_space<hbm>>, %arg7: memref<79x128xi32, #tpu.memory_space<vmem>>, %arg8: memref<79x128xi32, #tpu.memory_space<vmem>>, %arg9: memref<128x128xf32, #tpu.memory_space<vmem>>, %arg10: memref<10240x128xf32, #tpu.memory_space<vmem_shared>>) attributes {dimension_semantics = [#tpu.dimension_semantics<core_parallel>, #tpu.dimension_semantics<subcore_parallel>], iteration_bounds = array<i64: 2, 16>, scalar_prefetch = 0 : i64, scratch_operands = 4 : i64, tpu.core_type = #tpu.core_type<sc_vector_subcore>, window_params = [{transform_indices = #map}, {transform_indices = #map1}, {transform_indices = #map1}, {transform_indices = #map}, {transform_indices = #map1}]} {
    %mul3A = arith.constant 16 : i32
    %mul3A_0 = arith.muli %arg0, %mul3A : i32
    %add3A = arith.addi %mul3A_0, %arg1 : i32
    %mul3A_1 = arith.constant 640 : i32
    %mul3A_2 = arith.muli %arg1, %mul3A_1 : i32
    "tpu.region"() ({
      %run_scoped3A = tpu.sem_alloc : memref<!tpu.dma_semaphore, #tpu.memory_space<semaphore_mem>>
      %dma_start3A = arith.constant 0 : i32
      %dma_start3A_15 = tpu.memref_slice %arg10[%mul3A_2, %dma_start3A] : memref<10240x128xf32, #tpu.memory_space<vmem_shared>> -> memref<640x128xf32, #tpu.memory_space<vmem_shared>>
      tpu.enqueue_dma source(%arg5 : memref<640x128xf32, #tpu.memory_space<hbm>>) target(%dma_start3A_15 : memref<640x128xf32, #tpu.memory_space<vmem_shared>>) target_semaphore(%run_scoped3A : memref<!tpu.dma_semaphore, #tpu.memory_space<semaphore_mem>>)
      %dma_wait3A = arith.constant 0 : i32
      %dma_wait3A_16 = tpu.memref_slice %arg10[%mul3A_2, %dma_wait3A] : memref<10240x128xf32, #tpu.memory_space<vmem_shared>> -> memref<640x128xf32, #tpu.memory_space<vmem_shared>>
      tpu.wait_dma2 semaphore(%run_scoped3A : memref<!tpu.dma_semaphore, #tpu.memory_space<semaphore_mem>>) src(%arg5 : memref<640x128xf32, #tpu.memory_space<hbm>>) dst(%dma_wait3A_16 : memref<640x128xf32, #tpu.memory_space<vmem_shared>>)
      tpu.yield
    }) : () -> ()
    "tpu.region"() ({
      %run_scoped3A = tpu.sem_alloc : memref<!tpu.dma_semaphore, #tpu.memory_space<semaphore_mem>>
      %dma_start3A = arith.constant 0 : i32
      %dma_start3A_15 = arith.constant 0 : i32
      %dma_start3A_16 = tpu.memref_slice %arg3[%add3A, %dma_start3A, %dma_start3A_15] : memref<32x79x128xi32, #tpu.memory_space<hbm>> -> memref<1x79x128xi32, #tpu.memory_space<hbm>>
      %dma_start3A_17 = tpu.memref_squeeze %dma_start3A_16 : memref<1x79x128xi32, #tpu.memory_space<hbm>> -> memref<79x128xi32, #tpu.memory_space<hbm>>
      %dma_start3A_18 = arith.constant 0 : i32
      %dma_start3A_19 = arith.constant 0 : i32
      %dma_start3A_20 = tpu.memref_slice %arg3[%add3A, %dma_start3A_18, %dma_start3A_19] : memref<32x79x128xi32, #tpu.memory_space<hbm>> -> memref<1x79x128xi32, #tpu.memory_space<hbm>>
      %dma_start3A_21 = tpu.memref_squeeze %dma_start3A_20 : memref<1x79x128xi32, #tpu.memory_space<hbm>> -> memref<79x128xi32, #tpu.memory_space<hbm>>
      tpu.enqueue_dma source(%dma_start3A_21 : memref<79x128xi32, #tpu.memory_space<hbm>>) target(%arg7 : memref<79x128xi32, #tpu.memory_space<vmem>>) target_semaphore(%run_scoped3A : memref<!tpu.dma_semaphore, #tpu.memory_space<semaphore_mem>>)
      %dma_wait3A = arith.constant 0 : i32
      %dma_wait3A_22 = arith.constant 0 : i32
      %dma_wait3A_23 = tpu.memref_slice %arg3[%add3A, %dma_wait3A, %dma_wait3A_22] : memref<32x79x128xi32, #tpu.memory_space<hbm>> -> memref<1x79x128xi32, #tpu.memory_space<hbm>>
      %dma_wait3A_24 = tpu.memref_squeeze %dma_wait3A_23 : memref<1x79x128xi32, #tpu.memory_space<hbm>> -> memref<79x128xi32, #tpu.memory_space<hbm>>
      %dma_wait3A_25 = arith.constant 0 : i32
      %dma_wait3A_26 = arith.constant 0 : i32
      %dma_wait3A_27 = tpu.memref_slice %arg3[%add3A, %dma_wait3A_25, %dma_wait3A_26] : memref<32x79x128xi32, #tpu.memory_space<hbm>> -> memref<1x79x128xi32, #tpu.memory_space<hbm>>
      %dma_wait3A_28 = tpu.memref_squeeze %dma_wait3A_27 : memref<1x79x128xi32, #tpu.memory_space<hbm>> -> memref<79x128xi32, #tpu.memory_space<hbm>>
      tpu.wait_dma2 semaphore(%run_scoped3A : memref<!tpu.dma_semaphore, #tpu.memory_space<semaphore_mem>>) src(%dma_wait3A_28 : memref<79x128xi32, #tpu.memory_space<hbm>>) dst(%arg7 : memref<79x128xi32, #tpu.memory_space<vmem>>)
      tpu.yield
    }) : () -> ()
    "tpu.region"() ({
      %run_scoped3A = tpu.sem_alloc : memref<!tpu.dma_semaphore, #tpu.memory_space<semaphore_mem>>
      %dma_start3A = arith.constant 0 : i32
      %dma_start3A_15 = arith.constant 0 : i32
      %dma_start3A_16 = tpu.memref_slice %arg4[%add3A, %dma_start3A, %dma_start3A_15] : memref<32x79x128xi32, #tpu.memory_space<hbm>> -> memref<1x79x128xi32, #tpu.memory_space<hbm>>
      %dma_start3A_17 = tpu.memref_squeeze %dma_start3A_16 : memref<1x79x128xi32, #tpu.memory_space<hbm>> -> memref<79x128xi32, #tpu.memory_space<hbm>>
      %dma_start3A_18 = arith.constant 0 : i32
      %dma_start3A_19 = arith.constant 0 : i32
      %dma_start3A_20 = tpu.memref_slice %arg4[%add3A, %dma_start3A_18, %dma_start3A_19] : memref<32x79x128xi32, #tpu.memory_space<hbm>> -> memref<1x79x128xi32, #tpu.memory_space<hbm>>
      %dma_start3A_21 = tpu.memref_squeeze %dma_start3A_20 : memref<1x79x128xi32, #tpu.memory_space<hbm>> -> memref<79x128xi32, #tpu.memory_space<hbm>>
      tpu.enqueue_dma source(%dma_start3A_21 : memref<79x128xi32, #tpu.memory_space<hbm>>) target(%arg8 : memref<79x128xi32, #tpu.memory_space<vmem>>) target_semaphore(%run_scoped3A : memref<!tpu.dma_semaphore, #tpu.memory_space<semaphore_mem>>)
      %dma_wait3A = arith.constant 0 : i32
      %dma_wait3A_22 = arith.constant 0 : i32
      %dma_wait3A_23 = tpu.memref_slice %arg4[%add3A, %dma_wait3A, %dma_wait3A_22] : memref<32x79x128xi32, #tpu.memory_space<hbm>> -> memref<1x79x128xi32, #tpu.memory_space<hbm>>
      %dma_wait3A_24 = tpu.memref_squeeze %dma_wait3A_23 : memref<1x79x128xi32, #tpu.memory_space<hbm>> -> memref<79x128xi32, #tpu.memory_space<hbm>>
      %dma_wait3A_25 = arith.constant 0 : i32
      %dma_wait3A_26 = arith.constant 0 : i32
      %dma_wait3A_27 = tpu.memref_slice %arg4[%add3A, %dma_wait3A_25, %dma_wait3A_26] : memref<32x79x128xi32, #tpu.memory_space<hbm>> -> memref<1x79x128xi32, #tpu.memory_space<hbm>>
      %dma_wait3A_28 = tpu.memref_squeeze %dma_wait3A_27 : memref<1x79x128xi32, #tpu.memory_space<hbm>> -> memref<79x128xi32, #tpu.memory_space<hbm>>
      tpu.wait_dma2 semaphore(%run_scoped3A : memref<!tpu.dma_semaphore, #tpu.memory_space<semaphore_mem>>) src(%dma_wait3A_28 : memref<79x128xi32, #tpu.memory_space<hbm>>) dst(%arg8 : memref<79x128xi32, #tpu.memory_space<vmem>>)
      tpu.yield
    }) : () -> ()
    %barrier3A = arith.constant 0 : index
    tpu.barrier barrier_id(%barrier3A)
    %eq3A = arith.constant 0 : i32
    %eq3A_3 = arith.cmpi eq, %arg0, %eq3A : i32
    %jit3A = arith.constant 78 : i32
    %jit3A_4 = arith.constant 79 : i32
    %select_n3A = arith.select %eq3A_3, %jit3A, %jit3A_4 : i32
    %while3A = arith.constant 0 : i32
    %while3A_5 = arith.constant 0 : i32
    %while3A_6 = arith.subi %select_n3A, %while3A_5 : i32
    %while3A_7 = arith.addi %while3A_5, %while3A_6 : i32
    %while3A_8 = arith.constant 1 : i32
    %while3A_9 = arith.divsi %while3A_6, %while3A_8 : i32
    %while3A_10 = arith.muli %while3A_9, %while3A_8 : i32
    %while3A_11 = arith.addi %while3A_5, %while3A_10 : i32
    %while3A_12 = arith.constant 1 : i32
    scf.for %while3A_15 = %while3A_5 to %while3A_11 step %while3A_12  : i32 {
      "tpu.region"() ({
        %run_scoped3A = tpu.sem_alloc : memref<!tpu.dma_semaphore, #tpu.memory_space<semaphore_mem>>
        %dma_start3A = arith.constant 0 : i32
        %dma_start3A_16 = tpu.memref_slice %arg7[%while3A_15, %dma_start3A] : memref<79x128xi32, #tpu.memory_space<vmem>> -> memref<1x128xi32, #tpu.memory_space<vmem>>
        %dma_start3A_17 = tpu.memref_squeeze %dma_start3A_16 : memref<1x128xi32, #tpu.memory_space<vmem>> -> memref<128xi32, #tpu.memory_space<vmem>>
        %dma_start3A_18 = arith.constant 0 : i32
        %dma_start3A_19 = arith.constant 0 : i32
        %dma_start3A_20 = tpu.memref_slice %arg2[%dma_start3A_18, %dma_start3A_19] : memref<10000x128xf32, #tpu.memory_space<hbm>> -> memref<10000x128xf32, #tpu.memory_space<hbm>>
        tpu.enqueue_indirect_dma source(%dma_start3A_20 : memref<10000x128xf32, #tpu.memory_space<hbm>>) target(%arg9 : memref<128x128xf32, #tpu.memory_space<vmem>>) offsets(%dma_start3A_17 : memref<128xi32, #tpu.memory_space<vmem>>) semaphore(%run_scoped3A : memref<!tpu.dma_semaphore, #tpu.memory_space<semaphore_mem>>)
        %dma_wait3A = arith.constant 0 : i32
        %dma_wait3A_21 = tpu.memref_slice %arg7[%while3A_15, %dma_wait3A] : memref<79x128xi32, #tpu.memory_space<vmem>> -> memref<1x128xi32, #tpu.memory_space<vmem>>
        %dma_wait3A_22 = tpu.memref_squeeze %dma_wait3A_21 : memref<1x128xi32, #tpu.memory_space<vmem>> -> memref<128xi32, #tpu.memory_space<vmem>>
        %dma_wait3A_23 = arith.constant 0 : i32
        %dma_wait3A_24 = arith.constant 0 : i32
        %dma_wait3A_25 = tpu.memref_slice %arg2[%dma_wait3A_23, %dma_wait3A_24] : memref<10000x128xf32, #tpu.memory_space<hbm>> -> memref<10000x128xf32, #tpu.memory_space<hbm>>
        tpu.wait_indirect_dma semaphore(%run_scoped3A : memref<!tpu.dma_semaphore, #tpu.memory_space<semaphore_mem>>) src(%dma_wait3A_25 : memref<10000x128xf32, #tpu.memory_space<hbm>>) dst(%arg9 : memref<128x128xf32, #tpu.memory_space<vmem>>)
        tpu.yield
      }) : () -> ()
      "tpu.region"() ({
        %run_scoped3A = tpu.sem_alloc : memref<!tpu.dma_semaphore, #tpu.memory_space<semaphore_mem>>
        %dma_start3A = arith.constant 0 : i32
        %dma_start3A_16 = tpu.memref_slice %arg8[%while3A_15, %dma_start3A] : memref<79x128xi32, #tpu.memory_space<vmem>> -> memref<1x128xi32, #tpu.memory_space<vmem>>
        %dma_start3A_17 = tpu.memref_squeeze %dma_start3A_16 : memref<1x128xi32, #tpu.memory_space<vmem>> -> memref<128xi32, #tpu.memory_space<vmem>>
        %dma_start3A_18 = arith.constant 0 : i32
        %dma_start3A_19 = arith.constant 0 : i32
        %dma_start3A_20 = tpu.memref_slice %arg10[%dma_start3A_18, %dma_start3A_19] : memref<10240x128xf32, #tpu.memory_space<vmem_shared>> -> memref<10240x128xf32, #tpu.memory_space<vmem_shared>>
        tpu.enqueue_indirect_dma source(%arg9 : memref<128x128xf32, #tpu.memory_space<vmem>>) target(%dma_start3A_20 : memref<10240x128xf32, #tpu.memory_space<vmem_shared>>) offsets(%dma_start3A_17 : memref<128xi32, #tpu.memory_space<vmem>>) semaphore(%run_scoped3A : memref<!tpu.dma_semaphore, #tpu.memory_space<semaphore_mem>>) {add = true}
        %dma_wait3A = arith.constant 0 : i32
        %dma_wait3A_21 = tpu.memref_slice %arg8[%while3A_15, %dma_wait3A] : memref<79x128xi32, #tpu.memory_space<vmem>> -> memref<1x128xi32, #tpu.memory_space<vmem>>
        %dma_wait3A_22 = tpu.memref_squeeze %dma_wait3A_21 : memref<1x128xi32, #tpu.memory_space<vmem>> -> memref<128xi32, #tpu.memory_space<vmem>>
        %dma_wait3A_23 = arith.constant 0 : i32
        %dma_wait3A_24 = arith.constant 0 : i32
        %dma_wait3A_25 = tpu.memref_slice %arg10[%dma_wait3A_23, %dma_wait3A_24] : memref<10240x128xf32, #tpu.memory_space<vmem_shared>> -> memref<10240x128xf32, #tpu.memory_space<vmem_shared>>
        tpu.wait_indirect_dma semaphore(%run_scoped3A : memref<!tpu.dma_semaphore, #tpu.memory_space<semaphore_mem>>) src(%arg9 : memref<128x128xf32, #tpu.memory_space<vmem>>) dst(%dma_wait3A_25 : memref<10240x128xf32, #tpu.memory_space<vmem_shared>>)
        tpu.yield
      }) : () -> ()
    }
    %while3A_13 = arith.constant 1 : i32
    scf.for %while3A_15 = %while3A_11 to %while3A_7 step %while3A_13  : i32 {
      "tpu.region"() ({
        %run_scoped3A = tpu.sem_alloc : memref<!tpu.dma_semaphore, #tpu.memory_space<semaphore_mem>>
        %dma_start3A = arith.constant 0 : i32
        %dma_start3A_16 = tpu.memref_slice %arg7[%while3A_15, %dma_start3A] : memref<79x128xi32, #tpu.memory_space<vmem>> -> memref<1x128xi32, #tpu.memory_space<vmem>>
        %dma_start3A_17 = tpu.memref_squeeze %dma_start3A_16 : memref<1x128xi32, #tpu.memory_space<vmem>> -> memref<128xi32, #tpu.memory_space<vmem>>
        %dma_start3A_18 = arith.constant 0 : i32
        %dma_start3A_19 = arith.constant 0 : i32
        %dma_start3A_20 = tpu.memref_slice %arg2[%dma_start3A_18, %dma_start3A_19] : memref<10000x128xf32, #tpu.memory_space<hbm>> -> memref<10000x128xf32, #tpu.memory_space<hbm>>
        tpu.enqueue_indirect_dma source(%dma_start3A_20 : memref<10000x128xf32, #tpu.memory_space<hbm>>) target(%arg9 : memref<128x128xf32, #tpu.memory_space<vmem>>) offsets(%dma_start3A_17 : memref<128xi32, #tpu.memory_space<vmem>>) semaphore(%run_scoped3A : memref<!tpu.dma_semaphore, #tpu.memory_space<semaphore_mem>>)
        %dma_wait3A = arith.constant 0 : i32
        %dma_wait3A_21 = tpu.memref_slice %arg7[%while3A_15, %dma_wait3A] : memref<79x128xi32, #tpu.memory_space<vmem>> -> memref<1x128xi32, #tpu.memory_space<vmem>>
        %dma_wait3A_22 = tpu.memref_squeeze %dma_wait3A_21 : memref<1x128xi32, #tpu.memory_space<vmem>> -> memref<128xi32, #tpu.memory_space<vmem>>
        %dma_wait3A_23 = arith.constant 0 : i32
        %dma_wait3A_24 = arith.constant 0 : i32
        %dma_wait3A_25 = tpu.memref_slice %arg2[%dma_wait3A_23, %dma_wait3A_24] : memref<10000x128xf32, #tpu.memory_space<hbm>> -> memref<10000x128xf32, #tpu.memory_space<hbm>>
        tpu.wait_indirect_dma semaphore(%run_scoped3A : memref<!tpu.dma_semaphore, #tpu.memory_space<semaphore_mem>>) src(%dma_wait3A_25 : memref<10000x128xf32, #tpu.memory_space<hbm>>) dst(%arg9 : memref<128x128xf32, #tpu.memory_space<vmem>>)
        tpu.yield
      }) : () -> ()
      "tpu.region"() ({
        %run_scoped3A = tpu.sem_alloc : memref<!tpu.dma_semaphore, #tpu.memory_space<semaphore_mem>>
        %dma_start3A = arith.constant 0 : i32
        %dma_start3A_16 = tpu.memref_slice %arg8[%while3A_15, %dma_start3A] : memref<79x128xi32, #tpu.memory_space<vmem>> -> memref<1x128xi32, #tpu.memory_space<vmem>>
        %dma_start3A_17 = tpu.memref_squeeze %dma_start3A_16 : memref<1x128xi32, #tpu.memory_space<vmem>> -> memref<128xi32, #tpu.memory_space<vmem>>
        %dma_start3A_18 = arith.constant 0 : i32
        %dma_start3A_19 = arith.constant 0 : i32
        %dma_start3A_20 = tpu.memref_slice %arg10[%dma_start3A_18, %dma_start3A_19] : memref<10240x128xf32, #tpu.memory_space<vmem_shared>> -> memref<10240x128xf32, #tpu.memory_space<vmem_shared>>
        tpu.enqueue_indirect_dma source(%arg9 : memref<128x128xf32, #tpu.memory_space<vmem>>) target(%dma_start3A_20 : memref<10240x128xf32, #tpu.memory_space<vmem_shared>>) offsets(%dma_start3A_17 : memref<128xi32, #tpu.memory_space<vmem>>) semaphore(%run_scoped3A : memref<!tpu.dma_semaphore, #tpu.memory_space<semaphore_mem>>) {add = true}
        %dma_wait3A = arith.constant 0 : i32
        %dma_wait3A_21 = tpu.memref_slice %arg8[%while3A_15, %dma_wait3A] : memref<79x128xi32, #tpu.memory_space<vmem>> -> memref<1x128xi32, #tpu.memory_space<vmem>>
        %dma_wait3A_22 = tpu.memref_squeeze %dma_wait3A_21 : memref<1x128xi32, #tpu.memory_space<vmem>> -> memref<128xi32, #tpu.memory_space<vmem>>
        %dma_wait3A_23 = arith.constant 0 : i32
        %dma_wait3A_24 = arith.constant 0 : i32
        %dma_wait3A_25 = tpu.memref_slice %arg10[%dma_wait3A_23, %dma_wait3A_24] : memref<10240x128xf32, #tpu.memory_space<vmem_shared>> -> memref<10240x128xf32, #tpu.memory_space<vmem_shared>>
        tpu.wait_indirect_dma semaphore(%run_scoped3A : memref<!tpu.dma_semaphore, #tpu.memory_space<semaphore_mem>>) src(%arg9 : memref<128x128xf32, #tpu.memory_space<vmem>>) dst(%dma_wait3A_25 : memref<10240x128xf32, #tpu.memory_space<vmem_shared>>)
        tpu.yield
      }) : () -> ()
    }
    %barrier3A_14 = arith.constant 0 : index
    tpu.barrier barrier_id(%barrier3A_14)
    "tpu.region"() ({
      %run_scoped3A = tpu.sem_alloc : memref<!tpu.dma_semaphore, #tpu.memory_space<semaphore_mem>>
      %dma_start3A = arith.constant 0 : i32
      %dma_start3A_15 = tpu.memref_slice %arg6[%arg0, %mul3A_2, %dma_start3A] : memref<2x10240x128xf32, #tpu.memory_space<hbm>> -> memref<1x640x128xf32, #tpu.memory_space<hbm>>
      %dma_start3A_16 = tpu.memref_squeeze %dma_start3A_15 : memref<1x640x128xf32, #tpu.memory_space<hbm>> -> memref<640x128xf32, #tpu.memory_space<hbm>>
      %dma_start3A_17 = arith.constant 0 : i32
      %dma_start3A_18 = tpu.memref_slice %arg10[%mul3A_2, %dma_start3A_17] : memref<10240x128xf32, #tpu.memory_space<vmem_shared>> -> memref<640x128xf32, #tpu.memory_space<vmem_shared>>
      tpu.enqueue_dma source(%dma_start3A_18 : memref<640x128xf32, #tpu.memory_space<vmem_shared>>) target(%dma_start3A_16 : memref<640x128xf32, #tpu.memory_space<hbm>>) target_semaphore(%run_scoped3A : memref<!tpu.dma_semaphore, #tpu.memory_space<semaphore_mem>>)
      %dma_wait3A = arith.constant 0 : i32
      %dma_wait3A_19 = tpu.memref_slice %arg6[%arg0, %mul3A_2, %dma_wait3A] : memref<2x10240x128xf32, #tpu.memory_space<hbm>> -> memref<1x640x128xf32, #tpu.memory_space<hbm>>
      %dma_wait3A_20 = tpu.memref_squeeze %dma_wait3A_19 : memref<1x640x128xf32, #tpu.memory_space<hbm>> -> memref<640x128xf32, #tpu.memory_space<hbm>>
      %dma_wait3A_21 = arith.constant 0 : i32
      %dma_wait3A_22 = tpu.memref_slice %arg10[%mul3A_2, %dma_wait3A_21] : memref<10240x128xf32, #tpu.memory_space<vmem_shared>> -> memref<640x128xf32, #tpu.memory_space<vmem_shared>>
      tpu.wait_dma2 semaphore(%run_scoped3A : memref<!tpu.dma_semaphore, #tpu.memory_space<semaphore_mem>>) src(%dma_wait3A_22 : memref<640x128xf32, #tpu.memory_space<vmem_shared>>) dst(%dma_wait3A_20 : memref<640x128xf32, #tpu.memory_space<hbm>>)
      tpu.yield
    }) : () -> ()
    return
  }
}

#map = affine_map<(d0, d1) -> (0, 0)>
#map1 = affine_map<(d0, d1) -> (0, 0, 0)>
module attributes {stable_mosaic.version = 14 : i64} {
  func.func @fn(%arg0: i32, %arg1: i32, %arg2: memref<10000x128xf32, #tpu.memory_space<hbm>>, %arg3: memref<32x79x128xi32, #tpu.memory_space<hbm>>, %arg4: memref<32x79x128xi32, #tpu.memory_space<hbm>>, %arg5: memref<640x128xf32, #tpu.memory_space<hbm>>, %arg6: memref<2x10240x128xf32, #tpu.memory_space<hbm>>, %arg7: memref<79x128xi32, #tpu.memory_space<vmem>>, %arg8: memref<79x128xi32, #tpu.memory_space<vmem>>, %arg9: memref<128x128xf32, #tpu.memory_space<vmem>>, %arg10: memref<10240x128xf32, #tpu.memory_space<vmem_shared>>) attributes {dimension_semantics = [#tpu.dimension_semantics<core_parallel>, #tpu.dimension_semantics<subcore_parallel>], iteration_bounds = array<i64: 2, 16>, scalar_prefetch = 0 : i64, scratch_operands = 4 : i64, tpu.core_type = #tpu.core_type<sc_vector_subcore>, window_params = [{transform_indices = #map}, {transform_indices = #map1}, {transform_indices = #map1}, {transform_indices = #map}, {transform_indices = #map1}]} {
    %mul3A = arith.constant 16 : i32
    %mul3A_0 = arith.muli %arg0, %mul3A : i32
    %add3A = arith.addi %mul3A_0, %arg1 : i32
    %mul3A_1 = arith.constant 640 : i32
    %mul3A_2 = arith.muli %arg1, %mul3A_1 : i32
    "tpu.region"() ({
      %run_scoped3A = tpu.sem_alloc : memref<!tpu.dma_semaphore, #tpu.memory_space<semaphore_mem>>
      %dma_start3A = arith.constant 0 : i32
      %dma_start3A_15 = tpu.memref_slice %arg10[%mul3A_2, %dma_start3A] : memref<10240x128xf32, #tpu.memory_space<vmem_shared>> -> memref<640x128xf32, #tpu.memory_space<vmem_shared>>
      tpu.enqueue_dma source(%arg5 : memref<640x128xf32, #tpu.memory_space<hbm>>) target(%dma_start3A_15 : memref<640x128xf32, #tpu.memory_space<vmem_shared>>) target_semaphore(%run_scoped3A : memref<!tpu.dma_semaphore, #tpu.memory_space<semaphore_mem>>)
      %dma_wait3A = arith.constant 0 : i32
      %dma_wait3A_16 = tpu.memref_slice %arg10[%mul3A_2, %dma_wait3A] : memref<10240x128xf32, #tpu.memory_space<vmem_shared>> -> memref<640x128xf32, #tpu.memory_space<vmem_shared>>
      tpu.wait_dma2 semaphore(%run_scoped3A : memref<!tpu.dma_semaphore, #tpu.memory_space<semaphore_mem>>) src(%arg5 : memref<640x128xf32, #tpu.memory_space<hbm>>) dst(%dma_wait3A_16 : memref<640x128xf32, #tpu.memory_space<vmem_shared>>)
      tpu.yield
    }) : () -> ()
    "tpu.region"() ({
      %run_scoped3A = tpu.sem_alloc : memref<!tpu.dma_semaphore, #tpu.memory_space<semaphore_mem>>
      %dma_start3A = arith.constant 0 : i32
      %dma_start3A_15 = arith.constant 0 : i32
      %dma_start3A_16 = tpu.memref_slice %arg3[%add3A, %dma_start3A, %dma_start3A_15] : memref<32x79x128xi32, #tpu.memory_space<hbm>> -> memref<1x79x128xi32, #tpu.memory_space<hbm>>
      %dma_start3A_17 = tpu.memref_squeeze %dma_start3A_16 : memref<1x79x128xi32, #tpu.memory_space<hbm>> -> memref<79x128xi32, #tpu.memory_space<hbm>>
      %dma_start3A_18 = arith.constant 0 : i32
      %dma_start3A_19 = arith.constant 0 : i32
      %dma_start3A_20 = tpu.memref_slice %arg3[%add3A, %dma_start3A_18, %dma_start3A_19] : memref<32x79x128xi32, #tpu.memory_space<hbm>> -> memref<1x79x128xi32, #tpu.memory_space<hbm>>
      %dma_start3A_21 = tpu.memref_squeeze %dma_start3A_20 : memref<1x79x128xi32, #tpu.memory_space<hbm>> -> memref<79x128xi32, #tpu.memory_space<hbm>>
      tpu.enqueue_dma source(%dma_start3A_21 : memref<79x128xi32, #tpu.memory_space<hbm>>) target(%arg7 : memref<79x128xi32, #tpu.memory_space<vmem>>) target_semaphore(%run_scoped3A : memref<!tpu.dma_semaphore, #tpu.memory_space<semaphore_mem>>)
      %dma_wait3A = arith.constant 0 : i32
      %dma_wait3A_22 = arith.constant 0 : i32
      %dma_wait3A_23 = tpu.memref_slice %arg3[%add3A, %dma_wait3A, %dma_wait3A_22] : memref<32x79x128xi32, #tpu.memory_space<hbm>> -> memref<1x79x128xi32, #tpu.memory_space<hbm>>
      %dma_wait3A_24 = tpu.memref_squeeze %dma_wait3A_23 : memref<1x79x128xi32, #tpu.memory_space<hbm>> -> memref<79x128xi32, #tpu.memory_space<hbm>>
      %dma_wait3A_25 = arith.constant 0 : i32
      %dma_wait3A_26 = arith.constant 0 : i32
      %dma_wait3A_27 = tpu.memref_slice %arg3[%add3A, %dma_wait3A_25, %dma_wait3A_26] : memref<32x79x128xi32, #tpu.memory_space<hbm>> -> memref<1x79x128xi32, #tpu.memory_space<hbm>>
      %dma_wait3A_28 = tpu.memref_squeeze %dma_wait3A_27 : memref<1x79x128xi32, #tpu.memory_space<hbm>> -> memref<79x128xi32, #tpu.memory_space<hbm>>
      tpu.wait_dma2 semaphore(%run_scoped3A : memref<!tpu.dma_semaphore, #tpu.memory_space<semaphore_mem>>) src(%dma_wait3A_28 : memref<79x128xi32, #tpu.memory_space<hbm>>) dst(%arg7 : memref<79x128xi32, #tpu.memory_space<vmem>>)
      tpu.yield
    }) : () -> ()
    "tpu.region"() ({
      %run_scoped3A = tpu.sem_alloc : memref<!tpu.dma_semaphore, #tpu.memory_space<semaphore_mem>>
      %dma_start3A = arith.constant 0 : i32
      %dma_start3A_15 = arith.constant 0 : i32
      %dma_start3A_16 = tpu.memref_slice %arg4[%add3A, %dma_start3A, %dma_start3A_15] : memref<32x79x128xi32, #tpu.memory_space<hbm>> -> memref<1x79x128xi32, #tpu.memory_space<hbm>>
      %dma_start3A_17 = tpu.memref_squeeze %dma_start3A_16 : memref<1x79x128xi32, #tpu.memory_space<hbm>> -> memref<79x128xi32, #tpu.memory_space<hbm>>
      %dma_start3A_18 = arith.constant 0 : i32
      %dma_start3A_19 = arith.constant 0 : i32
      %dma_start3A_20 = tpu.memref_slice %arg4[%add3A, %dma_start3A_18, %dma_start3A_19] : memref<32x79x128xi32, #tpu.memory_space<hbm>> -> memref<1x79x128xi32, #tpu.memory_space<hbm>>
      %dma_start3A_21 = tpu.memref_squeeze %dma_start3A_20 : memref<1x79x128xi32, #tpu.memory_space<hbm>> -> memref<79x128xi32, #tpu.memory_space<hbm>>
      tpu.enqueue_dma source(%dma_start3A_21 : memref<79x128xi32, #tpu.memory_space<hbm>>) target(%arg8 : memref<79x128xi32, #tpu.memory_space<vmem>>) target_semaphore(%run_scoped3A : memref<!tpu.dma_semaphore, #tpu.memory_space<semaphore_mem>>)
      %dma_wait3A = arith.constant 0 : i32
      %dma_wait3A_22 = arith.constant 0 : i32
      %dma_wait3A_23 = tpu.memref_slice %arg4[%add3A, %dma_wait3A, %dma_wait3A_22] : memref<32x79x128xi32, #tpu.memory_space<hbm>> -> memref<1x79x128xi32, #tpu.memory_space<hbm>>
      %dma_wait3A_24 = tpu.memref_squeeze %dma_wait3A_23 : memref<1x79x128xi32, #tpu.memory_space<hbm>> -> memref<79x128xi32, #tpu.memory_space<hbm>>
      %dma_wait3A_25 = arith.constant 0 : i32
      %dma_wait3A_26 = arith.constant 0 : i32
      %dma_wait3A_27 = tpu.memref_slice %arg4[%add3A, %dma_wait3A_25, %dma_wait3A_26] : memref<32x79x128xi32, #tpu.memory_space<hbm>> -> memref<1x79x128xi32, #tpu.memory_space<hbm>>
      %dma_wait3A_28 = tpu.memref_squeeze %dma_wait3A_27 : memref<1x79x128xi32, #tpu.memory_space<hbm>> -> memref<79x128xi32, #tpu.memory_space<hbm>>
      tpu.wait_dma2 semaphore(%run_scoped3A : memref<!tpu.dma_semaphore, #tpu.memory_space<semaphore_mem>>) src(%dma_wait3A_28 : memref<79x128xi32, #tpu.memory_space<hbm>>) dst(%arg8 : memref<79x128xi32, #tpu.memory_space<vmem>>)
      tpu.yield
    }) : () -> ()
    %barrier3A = arith.constant 0 : index
    tpu.barrier barrier_id(%barrier3A)
    %eq3A = arith.constant 0 : i32
    %eq3A_3 = arith.cmpi eq, %arg0, %eq3A : i32
    %jit3A = arith.constant 78 : i32
    %jit3A_4 = arith.constant 79 : i32
    %select_n3A = arith.select %eq3A_3, %jit3A, %jit3A_4 : i32
    %while3A = arith.constant 0 : i32
    %while3A_5 = arith.constant 0 : i32
    %while3A_6 = arith.subi %select_n3A, %while3A_5 : i32
    %while3A_7 = arith.addi %while3A_5, %while3A_6 : i32
    %while3A_8 = arith.constant 1 : i32
    %while3A_9 = arith.divsi %while3A_6, %while3A_8 : i32
    %while3A_10 = arith.muli %while3A_9, %while3A_8 : i32
    %while3A_11 = arith.addi %while3A_5, %while3A_10 : i32
    %while3A_12 = arith.constant 1 : i32
    scf.for %while3A_15 = %while3A_5 to %while3A_11 step %while3A_12  : i32 {
      "tpu.region"() ({
        %run_scoped3A = tpu.sem_alloc : memref<!tpu.dma_semaphore, #tpu.memory_space<semaphore_mem>>
        %dma_start3A = arith.constant 0 : i32
        %dma_start3A_16 = tpu.memref_slice %arg7[%while3A_15, %dma_start3A] : memref<79x128xi32, #tpu.memory_space<vmem>> -> memref<1x128xi32, #tpu.memory_space<vmem>>
        %dma_start3A_17 = tpu.memref_squeeze %dma_start3A_16 : memref<1x128xi32, #tpu.memory_space<vmem>> -> memref<128xi32, #tpu.memory_space<vmem>>
        %dma_start3A_18 = arith.constant 0 : i32
        %dma_start3A_19 = arith.constant 0 : i32
        %dma_start3A_20 = tpu.memref_slice %arg2[%dma_start3A_18, %dma_start3A_19] : memref<10000x128xf32, #tpu.memory_space<hbm>> -> memref<10000x128xf32, #tpu.memory_space<hbm>>
        tpu.enqueue_indirect_dma source(%dma_start3A_20 : memref<10000x128xf32, #tpu.memory_space<hbm>>) target(%arg9 : memref<128x128xf32, #tpu.memory_space<vmem>>) offsets(%dma_start3A_17 : memref<128xi32, #tpu.memory_space<vmem>>) semaphore(%run_scoped3A : memref<!tpu.dma_semaphore, #tpu.memory_space<semaphore_mem>>)
        %dma_wait3A = arith.constant 0 : i32
        %dma_wait3A_21 = tpu.memref_slice %arg7[%while3A_15, %dma_wait3A] : memref<79x128xi32, #tpu.memory_space<vmem>> -> memref<1x128xi32, #tpu.memory_space<vmem>>
        %dma_wait3A_22 = tpu.memref_squeeze %dma_wait3A_21 : memref<1x128xi32, #tpu.memory_space<vmem>> -> memref<128xi32, #tpu.memory_space<vmem>>
        %dma_wait3A_23 = arith.constant 0 : i32
        %dma_wait3A_24 = arith.constant 0 : i32
        %dma_wait3A_25 = tpu.memref_slice %arg2[%dma_wait3A_23, %dma_wait3A_24] : memref<10000x128xf32, #tpu.memory_space<hbm>> -> memref<10000x128xf32, #tpu.memory_space<hbm>>
        tpu.wait_indirect_dma semaphore(%run_scoped3A : memref<!tpu.dma_semaphore, #tpu.memory_space<semaphore_mem>>) src(%dma_wait3A_25 : memref<10000x128xf32, #tpu.memory_space<hbm>>) dst(%arg9 : memref<128x128xf32, #tpu.memory_space<vmem>>)
        tpu.yield
      }) : () -> ()
      "tpu.region"() ({
        %run_scoped3A = tpu.sem_alloc : memref<!tpu.dma_semaphore, #tpu.memory_space<semaphore_mem>>
        %dma_start3A = arith.constant 0 : i32
        %dma_start3A_16 = tpu.memref_slice %arg8[%while3A_15, %dma_start3A] : memref<79x128xi32, #tpu.memory_space<vmem>> -> memref<1x128xi32, #tpu.memory_space<vmem>>
        %dma_start3A_17 = tpu.memref_squeeze %dma_start3A_16 : memref<1x128xi32, #tpu.memory_space<vmem>> -> memref<128xi32, #tpu.memory_space<vmem>>
        %dma_start3A_18 = arith.constant 0 : i32
        %dma_start3A_19 = arith.constant 0 : i32
        %dma_start3A_20 = tpu.memref_slice %arg10[%dma_start3A_18, %dma_start3A_19] : memref<10240x128xf32, #tpu.memory_space<vmem_shared>> -> memref<10240x128xf32, #tpu.memory_space<vmem_shared>>
        tpu.enqueue_indirect_dma source(%arg9 : memref<128x128xf32, #tpu.memory_space<vmem>>) target(%dma_start3A_20 : memref<10240x128xf32, #tpu.memory_space<vmem_shared>>) offsets(%dma_start3A_17 : memref<128xi32, #tpu.memory_space<vmem>>) semaphore(%run_scoped3A : memref<!tpu.dma_semaphore, #tpu.memory_space<semaphore_mem>>) {add = true}
        %dma_wait3A = arith.constant 0 : i32
        %dma_wait3A_21 = tpu.memref_slice %arg8[%while3A_15, %dma_wait3A] : memref<79x128xi32, #tpu.memory_space<vmem>> -> memref<1x128xi32, #tpu.memory_space<vmem>>
        %dma_wait3A_22 = tpu.memref_squeeze %dma_wait3A_21 : memref<1x128xi32, #tpu.memory_space<vmem>> -> memref<128xi32, #tpu.memory_space<vmem>>
        %dma_wait3A_23 = arith.constant 0 : i32
        %dma_wait3A_24 = arith.constant 0 : i32
        %dma_wait3A_25 = tpu.memref_slice %arg10[%dma_wait3A_23, %dma_wait3A_24] : memref<10240x128xf32, #tpu.memory_space<vmem_shared>> -> memref<10240x128xf32, #tpu.memory_space<vmem_shared>>
        tpu.wait_indirect_dma semaphore(%run_scoped3A : memref<!tpu.dma_semaphore, #tpu.memory_space<semaphore_mem>>) src(%arg9 : memref<128x128xf32, #tpu.memory_space<vmem>>) dst(%dma_wait3A_25 : memref<10240x128xf32, #tpu.memory_space<vmem_shared>>)
        tpu.yield
      }) : () -> ()
    }
    %while3A_13 = arith.constant 1 : i32
    scf.for %while3A_15 = %while3A_11 to %while3A_7 step %while3A_13  : i32 {
      "tpu.region"() ({
        %run_scoped3A = tpu.sem_alloc : memref<!tpu.dma_semaphore, #tpu.memory_space<semaphore_mem>>
        %dma_start3A = arith.constant 0 : i32
        %dma_start3A_16 = tpu.memref_slice %arg7[%while3A_15, %dma_start3A] : memref<79x128xi32, #tpu.memory_space<vmem>> -> memref<1x128xi32, #tpu.memory_space<vmem>>
        %dma_start3A_17 = tpu.memref_squeeze %dma_start3A_16 : memref<1x128xi32, #tpu.memory_space<vmem>> -> memref<128xi32, #tpu.memory_space<vmem>>
        %dma_start3A_18 = arith.constant 0 : i32
        %dma_start3A_19 = arith.constant 0 : i32
        %dma_start3A_20 = tpu.memref_slice %arg2[%dma_start3A_18, %dma_start3A_19] : memref<10000x128xf32, #tpu.memory_space<hbm>> -> memref<10000x128xf32, #tpu.memory_space<hbm>>
        tpu.enqueue_indirect_dma source(%dma_start3A_20 : memref<10000x128xf32, #tpu.memory_space<hbm>>) target(%arg9 : memref<128x128xf32, #tpu.memory_space<vmem>>) offsets(%dma_start3A_17 : memref<128xi32, #tpu.memory_space<vmem>>) semaphore(%run_scoped3A : memref<!tpu.dma_semaphore, #tpu.memory_space<semaphore_mem>>)
        %dma_wait3A = arith.constant 0 : i32
        %dma_wait3A_21 = tpu.memref_slice %arg7[%while3A_15, %dma_wait3A] : memref<79x128xi32, #tpu.memory_space<vmem>> -> memref<1x128xi32, #tpu.memory_space<vmem>>
        %dma_wait3A_22 = tpu.memref_squeeze %dma_wait3A_21 : memref<1x128xi32, #tpu.memory_space<vmem>> -> memref<128xi32, #tpu.memory_space<vmem>>
        %dma_wait3A_23 = arith.constant 0 : i32
        %dma_wait3A_24 = arith.constant 0 : i32
        %dma_wait3A_25 = tpu.memref_slice %arg2[%dma_wait3A_23, %dma_wait3A_24] : memref<10000x128xf32, #tpu.memory_space<hbm>> -> memref<10000x128xf32, #tpu.memory_space<hbm>>
        tpu.wait_indirect_dma semaphore(%run_scoped3A : memref<!tpu.dma_semaphore, #tpu.memory_space<semaphore_mem>>) src(%dma_wait3A_25 : memref<10000x128xf32, #tpu.memory_space<hbm>>) dst(%arg9 : memref<128x128xf32, #tpu.memory_space<vmem>>)
        tpu.yield
      }) : () -> ()
      "tpu.region"() ({
        %run_scoped3A = tpu.sem_alloc : memref<!tpu.dma_semaphore, #tpu.memory_space<semaphore_mem>>
        %dma_start3A = arith.constant 0 : i32
        %dma_start3A_16 = tpu.memref_slice %arg8[%while3A_15, %dma_start3A] : memref<79x128xi32, #tpu.memory_space<vmem>> -> memref<1x128xi32, #tpu.memory_space<vmem>>
        %dma_start3A_17 = tpu.memref_squeeze %dma_start3A_16 : memref<1x128xi32, #tpu.memory_space<vmem>> -> memref<128xi32, #tpu.memory_space<vmem>>
        %dma_start3A_18 = arith.constant 0 : i32
        %dma_start3A_19 = arith.constant 0 : i32
        %dma_start3A_20 = tpu.memref_slice %arg10[%dma_start3A_18, %dma_start3A_19] : memref<10240x128xf32, #tpu.memory_space<vmem_shared>> -> memref<10240x128xf32, #tpu.memory_space<vmem_shared>>
        tpu.enqueue_indirect_dma source(%arg9 : memref<128x128xf32, #tpu.memory_space<vmem>>) target(%dma_start3A_20 : memref<10240x128xf32, #tpu.memory_space<vmem_shared>>) offsets(%dma_start3A_17 : memref<128xi32, #tpu.memory_space<vmem>>) semaphore(%run_scoped3A : memref<!tpu.dma_semaphore, #tpu.memory_space<semaphore_mem>>) {add = true}
        %dma_wait3A = arith.constant 0 : i32
        %dma_wait3A_21 = tpu.memref_slice %arg8[%while3A_15, %dma_wait3A] : memref<79x128xi32, #tpu.memory_space<vmem>> -> memref<1x128xi32, #tpu.memory_space<vmem>>
        %dma_wait3A_22 = tpu.memref_squeeze %dma_wait3A_21 : memref<1x128xi32, #tpu.memory_space<vmem>> -> memref<128xi32, #tpu.memory_space<vmem>>
        %dma_wait3A_23 = arith.constant 0 : i32
        %dma_wait3A_24 = arith.constant 0 : i32
        %dma_wait3A_25 = tpu.memref_slice %arg10[%dma_wait3A_23, %dma_wait3A_24] : memref<10240x128xf32, #tpu.memory_space<vmem_shared>> -> memref<10240x128xf32, #tpu.memory_space<vmem_shared>>
        tpu.wait_indirect_dma semaphore(%run_scoped3A : memref<!tpu.dma_semaphore, #tpu.memory_space<semaphore_mem>>) src(%arg9 : memref<128x128xf32, #tpu.memory_space<vmem>>) dst(%dma_wait3A_25 : memref<10240x128xf32, #tpu.memory_space<vmem_shared>>)
        tpu.yield
      }) : () -> ()
    }
    %barrier3A_14 = arith.constant 0 : index
    tpu.barrier barrier_id(%barrier3A_14)
    "tpu.region"() ({
      %run_scoped3A = tpu.sem_alloc : memref<!tpu.dma_semaphore, #tpu.memory_space<semaphore_mem>>
      %dma_start3A = arith.constant 0 : i32
      %dma_start3A_15 = tpu.memref_slice %arg6[%arg0, %mul3A_2, %dma_start3A] : memref<2x10240x128xf32, #tpu.memory_space<hbm>> -> memref<1x640x128xf32, #tpu.memory_space<hbm>>
      %dma_start3A_16 = tpu.memref_squeeze %dma_start3A_15 : memref<1x640x128xf32, #tpu.memory_space<hbm>> -> memref<640x128xf32, #tpu.memory_space<hbm>>
      %dma_start3A_17 = arith.constant 0 : i32
      %dma_start3A_18 = tpu.memref_slice %arg10[%mul3A_2, %dma_start3A_17] : memref<10240x128xf32, #tpu.memory_space<vmem_shared>> -> memref<640x128xf32, #tpu.memory_space<vmem_shared>>
      tpu.enqueue_dma source(%dma_start3A_18 : memref<640x128xf32, #tpu.memory_space<vmem_shared>>) target(%dma_start3A_16 : memref<640x128xf32, #tpu.memory_space<hbm>>) target_semaphore(%run_scoped3A : memref<!tpu.dma_semaphore, #tpu.memory_space<semaphore_mem>>)
      %dma_wait3A = arith.constant 0 : i32
      %dma_wait3A_19 = tpu.memref_slice %arg6[%arg0, %mul3A_2, %dma_wait3A] : memref<2x10240x128xf32, #tpu.memory_space<hbm>> -> memref<1x640x128xf32, #tpu.memory_space<hbm>>
      %dma_wait3A_20 = tpu.memref_squeeze %dma_wait3A_19 : memref<1x640x128xf32, #tpu.memory_space<hbm>> -> memref<640x128xf32, #tpu.memory_space<hbm>>
      %dma_wait3A_21 = arith.constant 0 : i32
      %dma_wait3A_22 = tpu.memref_slice %arg10[%mul3A_2, %dma_wait3A_21] : memref<10240x128xf32, #tpu.memory_space<vmem_shared>> -> memref<640x128xf32, #tpu.memory_space<vmem_shared>>
      tpu.wait_dma2 semaphore(%run_scoped3A : memref<!tpu.dma_semaphore, #tpu.memory_space<semaphore_mem>>) src(%dma_wait3A_22 : memref<640x128xf32, #tpu.memory_space<vmem_shared>>) dst(%dma_wait3A_20 : memref<640x128xf32, #tpu.memory_space<hbm>>)
      tpu.yield
    }) : () -> ()
    return
  }
}

module attributes {stable_mosaic.version = 14 : i64} {
  func.func @body(%arg0: i32, %arg1: memref<1000x128xf32, #tpu.memory_space<vmem>>, %arg2: memref<1x1000x128xf32, #tpu.memory_space<vmem>>, %arg3: memref<1x1000x128xf32, #tpu.memory_space<vmem>>, %arg4: memref<1x1000x128xf32, #tpu.memory_space<vmem>>, %arg5: memref<1x1000x128xf32, #tpu.memory_space<vmem>>, %arg6: memref<128x128xf32, #tpu.memory_space<vmem>>, %arg7: memref<128x128xf32, #tpu.memory_space<vmem>>, %arg8: memref<1x128xf32, #tpu.memory_space<vmem>>, %arg9: memref<1x128xf32, #tpu.memory_space<vmem>>, %arg10: memref<1x128xf32, #tpu.memory_space<vmem>>, %arg11: memref<1000x128xf32, #tpu.memory_space<vmem>>) attributes {dimension_semantics = [#tpu.dimension_semantics<arbitrary>], iteration_bounds = array<i64: 10>, scalar_prefetch = 0 : i64, scratch_operands = 0 : i64, tpu.core_type = #tpu.core_type<tc>, window_params = [{transform_indices = @transform_0, window_bounds = array<i64: 1000, 128>}, {transform_indices = @transform_1, window_bounds = array<i64: 1, 1000, 128>}, {transform_indices = @transform_2, window_bounds = array<i64: 1, 1000, 128>}, {transform_indices = @transform_3, window_bounds = array<i64: 1, 1000, 128>}, {transform_indices = @transform_4, window_bounds = array<i64: 1, 1000, 128>}, {pipeline_mode = #tpu.pipeline_mode<synchronous>, transform_indices = @transform_5, window_bounds = array<i64: 128, 128>}, {pipeline_mode = #tpu.pipeline_mode<synchronous>, transform_indices = @transform_6, window_bounds = array<i64: 128, 128>}, {pipeline_mode = #tpu.pipeline_mode<synchronous>, transform_indices = @transform_7, window_bounds = array<i64: 1, 128>}, {pipeline_mode = #tpu.pipeline_mode<synchronous>, transform_indices = @transform_8, window_bounds = array<i64: 1, 128>}, {pipeline_mode = #tpu.pipeline_mode<synchronous>, transform_indices = @transform_9, window_bounds = array<i64: 1, 128>}, {transform_indices = @transform_10, window_bounds = array<i64: 1000, 128>}]} {
    %get3A = arith.constant 0 : index
    %get3A_0 = arith.constant 0 : index
    %get3A_1 = arith.constant 0 : index
    %get3A_2 = vector.load %arg2[%get3A, %get3A_0, %get3A_1] : memref<1x1000x128xf32, #tpu.memory_space<vmem>>, vector<1x1000x128xf32>
    %get3A_3 = vector.shape_cast %get3A_2 : vector<1x1000x128xf32> to vector<1000x128xf32>
    %get3A_4 = arith.constant 0 : index
    %get3A_5 = arith.constant 0 : index
    %get3A_6 = arith.constant 0 : index
    %get3A_7 = vector.load %arg3[%get3A_4, %get3A_5, %get3A_6] : memref<1x1000x128xf32, #tpu.memory_space<vmem>>, vector<1x1000x128xf32>
    %get3A_8 = vector.shape_cast %get3A_7 : vector<1x1000x128xf32> to vector<1000x128xf32>
    %add3A = arith.addf %get3A_3, %get3A_8 : vector<1000x128xf32>
    %get3A_9 = arith.constant 0 : index
    %get3A_10 = arith.constant 0 : index
    %get3A_11 = arith.constant 0 : index
    %get3A_12 = vector.load %arg4[%get3A_9, %get3A_10, %get3A_11] : memref<1x1000x128xf32, #tpu.memory_space<vmem>>, vector<1x1000x128xf32>
    %get3A_13 = vector.shape_cast %get3A_12 : vector<1x1000x128xf32> to vector<1000x128xf32>
    %slice3A = vector.extract_strided_slice %get3A_13 {offsets = [0, 0], sizes = [1000, 1], strides = [1, 1]} : vector<1000x128xf32> to vector<1000x1xf32>
    %get3A_14 = arith.constant 0 : index
    %get3A_15 = arith.constant 0 : index
    %get3A_16 = arith.constant 0 : index
    %get3A_17 = vector.load %arg5[%get3A_14, %get3A_15, %get3A_16] : memref<1x1000x128xf32, #tpu.memory_space<vmem>>, vector<1x1000x128xf32>
    %get3A_18 = vector.shape_cast %get3A_17 : vector<1x1000x128xf32> to vector<1000x128xf32>
    %slice3A_19 = vector.extract_strided_slice %get3A_18 {offsets = [0, 0], sizes = [1000, 1], strides = [1, 1]} : vector<1000x128xf32> to vector<1000x1xf32>
    %add3A_20 = arith.addf %slice3A, %slice3A_19 : vector<1000x1xf32>
    %max3A = arith.constant 1.000000e+00 : f32
    %max3A_21 = vector.broadcast %max3A : f32 to vector<1000x1xf32>
    %max3A_22 = arith.maximumf %add3A_20, %max3A_21 : vector<1000x1xf32>
    %div3A = vector.broadcast %max3A_22 : vector<1000x1xf32> to vector<1000x128xf32>
    %div3A_23 = arith.divf %add3A, %div3A : vector<1000x128xf32>
    %get3A_24 = arith.constant 0 : index
    %get3A_25 = arith.constant 0 : index
    %get3A_26 = vector.load %arg1[%get3A_24, %get3A_25] : memref<1000x128xf32, #tpu.memory_space<vmem>>, vector<1000x128xf32>
    %get3A_27 = arith.constant 0 : index
    %get3A_28 = arith.constant 0 : index
    %get3A_29 = vector.load %arg6[%get3A_27, %get3A_28] : memref<128x128xf32, #tpu.memory_space<vmem>>, vector<128x128xf32>
    %dot_general3A = arith.constant dense<0.000000e+00> : vector<1000x128xf32>
    %dot_general3A_30 = tpu.matmul %get3A_26, %get3A_29, %dot_general3A {dimension_numbers = #tpu.dot_dimension_numbers<[1], [0], [0], [1], [0, 0, 1, 1], [], []>, transpose_lhs_hint = false} : vector<1000x128xf32>, vector<128x128xf32>, vector<1000x128xf32> -> vector<1000x128xf32>
    %get3A_31 = arith.constant 0 : index
    %get3A_32 = arith.constant 0 : index
    %get3A_33 = vector.load %arg7[%get3A_31, %get3A_32] : memref<128x128xf32, #tpu.memory_space<vmem>>, vector<128x128xf32>
    %dot_general3A_34 = arith.constant dense<0.000000e+00> : vector<1000x128xf32>
    %dot_general3A_35 = tpu.matmul %div3A_23, %get3A_33, %dot_general3A_34 {dimension_numbers = #tpu.dot_dimension_numbers<[1], [0], [0], [1], [0, 0, 1, 1], [], []>, transpose_lhs_hint = false} : vector<1000x128xf32>, vector<128x128xf32>, vector<1000x128xf32> -> vector<1000x128xf32>
    %add3A_36 = arith.addf %dot_general3A_30, %dot_general3A_35 : vector<1000x128xf32>
    %get3A_37 = arith.constant 0 : index
    %get3A_38 = arith.constant 0 : index
    %get3A_39 = vector.load %arg8[%get3A_37, %get3A_38] : memref<1x128xf32, #tpu.memory_space<vmem>>, vector<1x128xf32>
    %add3A_40 = vector.broadcast %get3A_39 : vector<1x128xf32> to vector<1000x128xf32>
    %add3A_41 = arith.addf %add3A_36, %add3A_40 : vector<1000x128xf32>
    %reduce_sum3A = arith.constant dense<0.000000e+00> : vector<1000xf32>
    %reduce_sum3A_42 = vector.multi_reduction <add>, %add3A_41, %reduce_sum3A [1] : vector<1000x128xf32> to vector<1000xf32>
    %broadcast_in_dim3A = vector.shape_cast %reduce_sum3A_42 : vector<1000xf32> to vector<1000x1xf32>
    %div3A_43 = arith.constant 1.280000e+02 : f32
    %div3A_44 = vector.broadcast %div3A_43 : f32 to vector<1000x1xf32>
    %div3A_45 = arith.divf %broadcast_in_dim3A, %div3A_44 : vector<1000x1xf32>
    %sub3A = vector.broadcast %div3A_45 : vector<1000x1xf32> to vector<1000x128xf32>
    %sub3A_46 = arith.subf %add3A_41, %sub3A : vector<1000x128xf32>
    %integer_pow3A = arith.mulf %sub3A_46, %sub3A_46 : vector<1000x128xf32>
    %reduce_sum3A_47 = arith.constant dense<0.000000e+00> : vector<1000xf32>
    %reduce_sum3A_48 = vector.multi_reduction <add>, %integer_pow3A, %reduce_sum3A_47 [1] : vector<1000x128xf32> to vector<1000xf32>
    %broadcast_in_dim3A_49 = vector.shape_cast %reduce_sum3A_48 : vector<1000xf32> to vector<1000x1xf32>
    %div3A_50 = arith.constant 1.280000e+02 : f32
    %div3A_51 = vector.broadcast %div3A_50 : f32 to vector<1000x1xf32>
    %div3A_52 = arith.divf %broadcast_in_dim3A_49, %div3A_51 : vector<1000x1xf32>
    %sub3A_53 = vector.broadcast %div3A_45 : vector<1000x1xf32> to vector<1000x128xf32>
    %sub3A_54 = arith.subf %add3A_41, %sub3A_53 : vector<1000x128xf32>
    %add3A_55 = arith.constant 9.99999974E-6 : f32
    %add3A_56 = vector.broadcast %add3A_55 : f32 to vector<1000x1xf32>
    %add3A_57 = arith.addf %div3A_52, %add3A_56 : vector<1000x1xf32>
    %rsqrt3A = math.rsqrt %add3A_57 : vector<1000x1xf32>
    %mul3A = vector.broadcast %rsqrt3A : vector<1000x1xf32> to vector<1000x128xf32>
    %mul3A_58 = arith.mulf %sub3A_54, %mul3A : vector<1000x128xf32>
    %get3A_59 = arith.constant 0 : index
    %get3A_60 = arith.constant 0 : index
    %get3A_61 = vector.load %arg9[%get3A_59, %get3A_60] : memref<1x128xf32, #tpu.memory_space<vmem>>, vector<1x128xf32>
    %mul3A_62 = vector.broadcast %get3A_61 : vector<1x128xf32> to vector<1000x128xf32>
    %mul3A_63 = arith.mulf %mul3A_58, %mul3A_62 : vector<1000x128xf32>
    %get3A_64 = arith.constant 0 : index
    %get3A_65 = arith.constant 0 : index
    %get3A_66 = vector.load %arg10[%get3A_64, %get3A_65] : memref<1x128xf32, #tpu.memory_space<vmem>>, vector<1x128xf32>
    %add3A_67 = vector.broadcast %get3A_66 : vector<1x128xf32> to vector<1000x128xf32>
    %add3A_68 = arith.addf %mul3A_63, %add3A_67 : vector<1000x128xf32>
    %max3A_69 = arith.constant 0.000000e+00 : f32
    %max3A_70 = vector.broadcast %max3A_69 : f32 to vector<1000x128xf32>
    %max3A_71 = arith.maximumf %add3A_68, %max3A_70 : vector<1000x128xf32>
    %swap3A = arith.constant 0 : index
    %swap3A_72 = arith.constant 0 : index
    %swap3A_73 = vector.load %arg11[%swap3A, %swap3A_72] : memref<1000x128xf32, #tpu.memory_space<vmem>>, vector<1000x128xf32>
    tpu.vector_store %arg11[%swap3A, %swap3A_72], %max3A_71 {strides = array<i32>} : memref<1000x128xf32, #tpu.memory_space<vmem>>, vector<1000x128xf32>,
    return
  }
  func.func @transform_0(%arg0: i32) -> (i32, i32) {
    %c0_i32 = arith.constant 0 : i32
    %c0_i32_0 = arith.constant 0 : i32
    return %arg0, %c0_i32 : i32, i32
  }
  func.func @transform_1(%arg0: i32) -> (i32, i32, i32) {
    %c0_i32 = arith.constant 0 : i32
    %c0_i32_0 = arith.constant 0 : i32
    %c0_i32_1 = arith.constant 0 : i32
    return %c0_i32, %arg0, %c0_i32_0 : i32, i32, i32
  }
  func.func @transform_2(%arg0: i32) -> (i32, i32, i32) {
    %c1_i32 = arith.constant 1 : i32
    %c0_i32 = arith.constant 0 : i32
    %c0_i32_0 = arith.constant 0 : i32
    return %c1_i32, %arg0, %c0_i32 : i32, i32, i32
  }
  func.func @transform_3(%arg0: i32) -> (i32, i32, i32) {
    %c0_i32 = arith.constant 0 : i32
    %c0_i32_0 = arith.constant 0 : i32
    %c0_i32_1 = arith.constant 0 : i32
    return %c0_i32, %arg0, %c0_i32_0 : i32, i32, i32
  }
  func.func @transform_4(%arg0: i32) -> (i32, i32, i32) {
    %c1_i32 = arith.constant 1 : i32
    %c0_i32 = arith.constant 0 : i32
    %c0_i32_0 = arith.constant 0 : i32
    return %c1_i32, %arg0, %c0_i32 : i32, i32, i32
  }
  func.func @transform_5(%arg0: i32) -> (i32, i32) {
    %c0_i32 = arith.constant 0 : i32
    %c0_i32_0 = arith.constant 0 : i32
    %c0_i32_1 = arith.constant 0 : i32
    return %c0_i32, %c0_i32_0 : i32, i32
  }
  func.func @transform_6(%arg0: i32) -> (i32, i32) {
    %c0_i32 = arith.constant 0 : i32
    %c0_i32_0 = arith.constant 0 : i32
    %c0_i32_1 = arith.constant 0 : i32
    return %c0_i32, %c0_i32_0 : i32, i32
  }
  func.func @transform_7(%arg0: i32) -> (i32, i32) {
    %c0_i32 = arith.constant 0 : i32
    %c0_i32_0 = arith.constant 0 : i32
    %c0_i32_1 = arith.constant 0 : i32
    return %c0_i32, %c0_i32_0 : i32, i32
  }
  func.func @transform_8(%arg0: i32) -> (i32, i32) {
    %c0_i32 = arith.constant 0 : i32
    %c0_i32_0 = arith.constant 0 : i32
    %c0_i32_1 = arith.constant 0 : i32
    return %c0_i32, %c0_i32_0 : i32, i32
  }
  func.func @transform_9(%arg0: i32) -> (i32, i32) {
    %c0_i32 = arith.constant 0 : i32
    %c0_i32_0 = arith.constant 0 : i32
    %c0_i32_1 = arith.constant 0 : i32
    return %c0_i32, %c0_i32_0 : i32, i32
  }
  func.func @transform_10(%arg0: i32) -> (i32, i32) {
    %c0_i32 = arith.constant 0 : i32
    %c0_i32_0 = arith.constant 0 : i32
    return %arg0, %c0_i32 : i32, i32
  }
}

module attributes {stable_mosaic.version = 14 : i64} {
  func.func @body(%arg0: i32, %arg1: memref<1000x128xf32, #tpu.memory_space<vmem>>, %arg2: memref<1x1000x128xf32, #tpu.memory_space<vmem>>, %arg3: memref<1x1000x128xf32, #tpu.memory_space<vmem>>, %arg4: memref<1x1000x128xf32, #tpu.memory_space<vmem>>, %arg5: memref<1x1000x128xf32, #tpu.memory_space<vmem>>, %arg6: memref<128x128xf32, #tpu.memory_space<vmem>>, %arg7: memref<128x128xf32, #tpu.memory_space<vmem>>, %arg8: memref<1x128xf32, #tpu.memory_space<vmem>>, %arg9: memref<1x128xf32, #tpu.memory_space<vmem>>, %arg10: memref<1x128xf32, #tpu.memory_space<vmem>>, %arg11: memref<1000x128xf32, #tpu.memory_space<vmem>>) attributes {dimension_semantics = [#tpu.dimension_semantics<arbitrary>], iteration_bounds = array<i64: 10>, scalar_prefetch = 0 : i64, scratch_operands = 0 : i64, tpu.core_type = #tpu.core_type<tc>, window_params = [{transform_indices = @transform_0, window_bounds = array<i64: 1000, 128>}, {transform_indices = @transform_1, window_bounds = array<i64: 1, 1000, 128>}, {transform_indices = @transform_2, window_bounds = array<i64: 1, 1000, 128>}, {transform_indices = @transform_3, window_bounds = array<i64: 1, 1000, 128>}, {transform_indices = @transform_4, window_bounds = array<i64: 1, 1000, 128>}, {pipeline_mode = #tpu.pipeline_mode<synchronous>, transform_indices = @transform_5, window_bounds = array<i64: 128, 128>}, {pipeline_mode = #tpu.pipeline_mode<synchronous>, transform_indices = @transform_6, window_bounds = array<i64: 128, 128>}, {pipeline_mode = #tpu.pipeline_mode<synchronous>, transform_indices = @transform_7, window_bounds = array<i64: 1, 128>}, {pipeline_mode = #tpu.pipeline_mode<synchronous>, transform_indices = @transform_8, window_bounds = array<i64: 1, 128>}, {pipeline_mode = #tpu.pipeline_mode<synchronous>, transform_indices = @transform_9, window_bounds = array<i64: 1, 128>}, {transform_indices = @transform_10, window_bounds = array<i64: 1000, 128>}]} {
    %get3A = arith.constant 0 : index
    %get3A_0 = arith.constant 0 : index
    %get3A_1 = arith.constant 0 : index
    %get3A_2 = vector.load %arg2[%get3A, %get3A_0, %get3A_1] : memref<1x1000x128xf32, #tpu.memory_space<vmem>>, vector<1x1000x128xf32>
    %get3A_3 = vector.shape_cast %get3A_2 : vector<1x1000x128xf32> to vector<1000x128xf32>
    %get3A_4 = arith.constant 0 : index
    %get3A_5 = arith.constant 0 : index
    %get3A_6 = arith.constant 0 : index
    %get3A_7 = vector.load %arg3[%get3A_4, %get3A_5, %get3A_6] : memref<1x1000x128xf32, #tpu.memory_space<vmem>>, vector<1x1000x128xf32>
    %get3A_8 = vector.shape_cast %get3A_7 : vector<1x1000x128xf32> to vector<1000x128xf32>
    %add3A = arith.addf %get3A_3, %get3A_8 : vector<1000x128xf32>
    %get3A_9 = arith.constant 0 : index
    %get3A_10 = arith.constant 0 : index
    %get3A_11 = arith.constant 0 : index
    %get3A_12 = vector.load %arg4[%get3A_9, %get3A_10, %get3A_11] : memref<1x1000x128xf32, #tpu.memory_space<vmem>>, vector<1x1000x128xf32>
    %get3A_13 = vector.shape_cast %get3A_12 : vector<1x1000x128xf32> to vector<1000x128xf32>
    %slice3A = vector.extract_strided_slice %get3A_13 {offsets = [0, 0], sizes = [1000, 1], strides = [1, 1]} : vector<1000x128xf32> to vector<1000x1xf32>
    %get3A_14 = arith.constant 0 : index
    %get3A_15 = arith.constant 0 : index
    %get3A_16 = arith.constant 0 : index
    %get3A_17 = vector.load %arg5[%get3A_14, %get3A_15, %get3A_16] : memref<1x1000x128xf32, #tpu.memory_space<vmem>>, vector<1x1000x128xf32>
    %get3A_18 = vector.shape_cast %get3A_17 : vector<1x1000x128xf32> to vector<1000x128xf32>
    %slice3A_19 = vector.extract_strided_slice %get3A_18 {offsets = [0, 0], sizes = [1000, 1], strides = [1, 1]} : vector<1000x128xf32> to vector<1000x1xf32>
    %add3A_20 = arith.addf %slice3A, %slice3A_19 : vector<1000x1xf32>
    %max3A = arith.constant 1.000000e+00 : f32
    %max3A_21 = vector.broadcast %max3A : f32 to vector<1000x1xf32>
    %max3A_22 = arith.maximumf %add3A_20, %max3A_21 : vector<1000x1xf32>
    %div3A = vector.broadcast %max3A_22 : vector<1000x1xf32> to vector<1000x128xf32>
    %div3A_23 = arith.divf %add3A, %div3A : vector<1000x128xf32>
    %get3A_24 = arith.constant 0 : index
    %get3A_25 = arith.constant 0 : index
    %get3A_26 = vector.load %arg1[%get3A_24, %get3A_25] : memref<1000x128xf32, #tpu.memory_space<vmem>>, vector<1000x128xf32>
    %get3A_27 = arith.constant 0 : index
    %get3A_28 = arith.constant 0 : index
    %get3A_29 = vector.load %arg6[%get3A_27, %get3A_28] : memref<128x128xf32, #tpu.memory_space<vmem>>, vector<128x128xf32>
    %dot_general3A = arith.constant dense<0.000000e+00> : vector<1000x128xf32>
    %dot_general3A_30 = tpu.matmul %get3A_26, %get3A_29, %dot_general3A {dimension_numbers = #tpu.dot_dimension_numbers<[1], [0], [0], [1], [0, 0, 1, 1], [], []>, transpose_lhs_hint = false} : vector<1000x128xf32>, vector<128x128xf32>, vector<1000x128xf32> -> vector<1000x128xf32>
    %get3A_31 = arith.constant 0 : index
    %get3A_32 = arith.constant 0 : index
    %get3A_33 = vector.load %arg7[%get3A_31, %get3A_32] : memref<128x128xf32, #tpu.memory_space<vmem>>, vector<128x128xf32>
    %dot_general3A_34 = arith.constant dense<0.000000e+00> : vector<1000x128xf32>
    %dot_general3A_35 = tpu.matmul %div3A_23, %get3A_33, %dot_general3A_34 {dimension_numbers = #tpu.dot_dimension_numbers<[1], [0], [0], [1], [0, 0, 1, 1], [], []>, transpose_lhs_hint = false} : vector<1000x128xf32>, vector<128x128xf32>, vector<1000x128xf32> -> vector<1000x128xf32>
    %add3A_36 = arith.addf %dot_general3A_30, %dot_general3A_35 : vector<1000x128xf32>
    %get3A_37 = arith.constant 0 : index
    %get3A_38 = arith.constant 0 : index
    %get3A_39 = vector.load %arg8[%get3A_37, %get3A_38] : memref<1x128xf32, #tpu.memory_space<vmem>>, vector<1x128xf32>
    %add3A_40 = vector.broadcast %get3A_39 : vector<1x128xf32> to vector<1000x128xf32>
    %add3A_41 = arith.addf %add3A_36, %add3A_40 : vector<1000x128xf32>
    %swap3A = arith.constant 0 : index
    %swap3A_42 = arith.constant 0 : index
    %swap3A_43 = vector.load %arg11[%swap3A, %swap3A_42] : memref<1000x128xf32, #tpu.memory_space<vmem>>, vector<1000x128xf32>
    tpu.vector_store %arg11[%swap3A, %swap3A_42], %add3A_41 {strides = array<i32>} : memref<1000x128xf32, #tpu.memory_space<vmem>>, vector<1000x128xf32>,
    return
  }
  func.func @transform_0(%arg0: i32) -> (i32, i32) {
    %c0_i32 = arith.constant 0 : i32
    %c0_i32_0 = arith.constant 0 : i32
    return %arg0, %c0_i32 : i32, i32
  }
  func.func @transform_1(%arg0: i32) -> (i32, i32, i32) {
    %c0_i32 = arith.constant 0 : i32
    %c0_i32_0 = arith.constant 0 : i32
    %c0_i32_1 = arith.constant 0 : i32
    return %c0_i32, %arg0, %c0_i32_0 : i32, i32, i32
  }
  func.func @transform_2(%arg0: i32) -> (i32, i32, i32) {
    %c1_i32 = arith.constant 1 : i32
    %c0_i32 = arith.constant 0 : i32
    %c0_i32_0 = arith.constant 0 : i32
    return %c1_i32, %arg0, %c0_i32 : i32, i32, i32
  }
  func.func @transform_3(%arg0: i32) -> (i32, i32, i32) {
    %c0_i32 = arith.constant 0 : i32
    %c0_i32_0 = arith.constant 0 : i32
    %c0_i32_1 = arith.constant 0 : i32
    return %c0_i32, %arg0, %c0_i32_0 : i32, i32, i32
  }
  func.func @transform_4(%arg0: i32) -> (i32, i32, i32) {
    %c1_i32 = arith.constant 1 : i32
    %c0_i32 = arith.constant 0 : i32
    %c0_i32_0 = arith.constant 0 : i32
    return %c1_i32, %arg0, %c0_i32 : i32, i32, i32
  }
  func.func @transform_5(%arg0: i32) -> (i32, i32) {
    %c0_i32 = arith.constant 0 : i32
    %c0_i32_0 = arith.constant 0 : i32
    %c0_i32_1 = arith.constant 0 : i32
    return %c0_i32, %c0_i32_0 : i32, i32
  }
  func.func @transform_6(%arg0: i32) -> (i32, i32) {
    %c0_i32 = arith.constant 0 : i32
    %c0_i32_0 = arith.constant 0 : i32
    %c0_i32_1 = arith.constant 0 : i32
    return %c0_i32, %c0_i32_0 : i32, i32
  }
  func.func @transform_7(%arg0: i32) -> (i32, i32) {
    %c0_i32 = arith.constant 0 : i32
    %c0_i32_0 = arith.constant 0 : i32
    %c0_i32_1 = arith.constant 0 : i32
    return %c0_i32, %c0_i32_0 : i32, i32
  }
  func.func @transform_8(%arg0: i32) -> (i32, i32) {
    %c0_i32 = arith.constant 0 : i32
    %c0_i32_0 = arith.constant 0 : i32
    %c0_i32_1 = arith.constant 0 : i32
    return %c0_i32, %c0_i32_0 : i32, i32
  }
  func.func @transform_9(%arg0: i32) -> (i32, i32) {
    %c0_i32 = arith.constant 0 : i32
    %c0_i32_0 = arith.constant 0 : i32
    %c0_i32_1 = arith.constant 0 : i32
    return %c0_i32, %c0_i32_0 : i32, i32
  }
  func.func @transform_10(%arg0: i32) -> (i32, i32) {
    %c0_i32 = arith.constant 0 : i32
    %c0_i32_0 = arith.constant 0 : i32
    return %arg0, %c0_i32 : i32, i32
  }
}

</mosaic_0001>

<sc_bundles>
// kernel: kernel.12.cloned.1.call-start
scs
__scs_entry_jumppad:
0x0: {  	(pc) =	sbr.rel $0x88, $3  }
0x1: {  	(tag) =	ssettag $0x0;
	lr =	simm.s32 $0x1  }
0x2: {  	[smem:$0x3F92] =	sst lr;
	_ =	strace $0xD0000000  }
0x3: {  	_ = 	snop  }
0x4: {  	_ = 	snop  }
0x5: {  	_ = 	snop  }
0x6: {  	_ = 	snop  }
0x7: {  	_ = 	snop  }
__scs_overlays_trampoline_lowered:
0x8: {  	[smem:$0x3FA1] =	sst s0  }
0x9: {  	[smem:$0x3FA2] =	sst s1  }
0xa: {  	[smem:$0x3FA3] =	sst s2  }
0xb: {  	[smem:$0x3FA4] =	sst s3  }
0xc: {  	[smem:$0x3FA5] =	sst s4  }
0xd: {  	[smem:$0x3FA6] =	sst s5  }
0xe: {  	[smem:$0x3FA7] =	sst s6  }
0xf: {  	[smem:$0x3FA8] =	sst s7  }
0x10: {  	[smem:$0x3FA9] =	sst s8  }
0x11: {  	[smem:$0x3FAA] =	sst s9;
	s0 =	simm.s32 @!p0 $0x0  }
0x12: {  	s1 =	sld [smem:$0x3F90];
	s0 =	simm.s32 @p0 $0x1  }
0x13: {  	[smem:$0x3FAB] =	sst s0;
	s0 =	simm.s32 @!p1 $0x0  }
0x14: {  	s2 =	sld [smem:$0x3F8F];
	s0 =	simm.s32 @p1 $0x1  }
0x15: {  	[smem:$0x3FAC] =	sst s0;
	s0 =	simm.s32 @!p2 $0x0  }
0x16: {  	s3 =	sld [smem:$0x3FDB];
	s0 =	simm.s32 @p2 $0x1  }
0x17: {  	s4 =	simm.s32 $0x1BF5;
	[smem:$0x3FAE] =	sst s0  }
0x18: {  	s0 =	sld [smem:$0x3F91];
	_ =	swait.ge [sflag:s4], $0x0  }
0x19: {  	s7 =	sld [smem:$0x3F92]  }
0x1a: {  	s8 =	sadd.s32 $0xFFFFE003, lr  }
0x1b: {  	s9 =	sadd.s32 $0xFFFFFEF7, lr;
	s5 =	simm.s32 $0xFFFFFFFF;
	p2 =	slt.u32 s8, $0xFFFFF086  }
0x1c: {  	p1 =	slt.u32 s9, $0xF7A;
	s5 =	simm.s32 @!p2 $0x0  }
0x1d: {  	s5 =	simm.s32 @p1 $0x1;
	p0 =	seq.s32 s7, s2  }
0x1e: {  	s7 =	smul.u32 @!p0 $0xF7A, s2;
	p2 =	seq.s32 @!p0 s5, $0x0  }
0x1f: {  	s9 =	smul.u32 $0xF7A, s1;
	s8 =	simm.s32 @!p0 $0x1BF5;
	p2 =	por !p2, p0  }
0x20: {  	[sflag:s8] =	ssyncset.s32 @!p0 $0xFFFFF086;
	s6 =	sadd.s32 @!p0 s3, s7;
	s7 =	simm.s32 @!p0 $0x108  }
0x21: {  	s3 =	sadd.s32 s3, s9;
	s6 =	sadd.s32 @!p0 $0x88, s6;
	s7 =	simm.s32 @p2 $0x1082  }
0x22: {  	[simem:s7], [sflag:s8] =	dma.local @!p0 [hbm:s6], $0xF7A  }
0x23: {  	s9 =	sor.u32 $0xD0000000, s2;
	s6 =	simm.s32 $0x108;
	_ =	swait.ge @!p0 [sflag:s8], $0x0  }
0x24: {  	s3 =	sadd.s32 $0x88, s3;
	s6 =	simm.s32 @!p1 $0x1082;
	[sflag:s4] =	ssyncset.s32 $0xFFFFF086  }
0x25: {  	[simem:s6], [sflag:s4] =	dma.local [hbm:s3], $0xF7A  }
0x26: {  	[smem:$0x3F92] =	sst s1;
	(tag) =	ssettag s2;
	_ =	strace s9  }
0x27: {  	s1 =	sld [smem:$0x3FA2]  }
0x28: {  	s2 =	sld [smem:$0x3FA3]  }
0x29: {  	s4 =	sld [smem:$0x3FA5]  }
0x2a: {  	p0 =	seq.s32 s5, $0x0;
	s5 =	sld [smem:$0x3FA6]  }
0x2b: {  	s6 =	sld [smem:$0x3FA7]  }
0x2c: {  	s7 =	sld [smem:$0x3FA8]  }
0x2d: {  	s3 =	simm.s32 $0x108;
	s8 =	sld [smem:$0x3FA9]  }
0x2e: {  	s3 =	simm.s32 @!p0 $0x1082;
	s9 =	sld [smem:$0x3FAA]  }
0x2f: {  	lr =	sadd.s32 s0, s3;
	s0 =	sld [smem:$0x3FA1]  }
0x30: {  	s3 =	sld [smem:$0x3FA4]  }
0x31: {  	[smem:$0x3FAD] =	sst s10  }
0x32: {  	s10 =	sld [smem:$0x3FAB];
	_ =	sdelay $0x3  }
0x33: {  	p0 =	seq.s32 s10, $0x1;
	s10 =	sld [smem:$0x3FAD];
	_ =	sdelay $0x3  }
0x34: {  	[smem:$0x3FAD] =	sst s10  }
0x35: {  	s10 =	sld [smem:$0x3FAC];
	_ =	sdelay $0x3  }
0x36: {  	p1 =	seq.s32 s10, $0x1;
	s10 =	sld [smem:$0x3FAD];
	_ =	sdelay $0x3  }
0x37: {  	[smem:$0x3FAD] =	sst s10  }
0x38: {  	s10 =	sld [smem:$0x3FAE]  }
0x39: {  	_ = 	snop;
	(pc) =	sbr.ind lr, $3  }
0x3a: {  	_ = 	snop  }
0x3b: {  	_ = 	snop  }
0x3c: {  	p2 =	seq.s32 s10, $0x1;
	s10 =	sld [smem:$0x3FAD]  }
0x3d: {  	_ =	shalt  }
0x3e: {  	_ =	shalt  }
0x3f: {  	_ =	shalt  }
0x40: {  	_ =	shalt  }
0x41: {  	_ =	shalt  }
0x42: {  	_ =	shalt  }
0x43: {  	_ =	shalt  }
0x44: {  	_ =	shalt  }
0x45: {  	_ =	shalt  }
0x46: {  	_ =	shalt  }
0x47: {  	_ =	shalt  }
0x48: {  	_ =	shalt  }
0x49: {  	_ =	shalt  }
0x4a: {  	_ =	shalt  }
0x4b: {  	_ =	shalt  }
0x4c: {  	_ =	shalt  }
0x4d: {  	_ =	shalt  }
0x4e: {  	_ =	shalt  }
0x4f: {  	_ =	shalt  }
0x50: {  	_ =	shalt  }
0x51: {  	_ =	shalt  }
0x52: {  	_ =	shalt  }
0x53: {  	_ =	shalt  }
0x54: {  	_ =	shalt  }
0x55: {  	_ =	shalt  }
0x56: {  	_ =	shalt  }
0x57: {  	_ =	shalt  }
0x58: {  	_ =	shalt  }
0x59: {  	_ =	shalt  }
0x5a: {  	_ =	shalt  }
0x5b: {  	_ =	shalt  }
0x5c: {  	_ =	shalt  }
0x5d: {  	_ =	shalt  }
0x5e: {  	_ =	shalt  }
0x5f: {  	_ =	shalt  }
0x60: {  	_ =	shalt  }
0x61: {  	_ =	shalt  }
0x62: {  	_ =	shalt  }
0x63: {  	_ =	shalt  }
0x64: {  	_ =	shalt  }
0x65: {  	_ =	shalt  }
0x66: {  	_ =	shalt  }
0x67: {  	_ =	shalt  }
0x68: {  	_ =	shalt  }
0x69: {  	_ =	shalt  }
0x6a: {  	_ =	shalt  }
0x6b: {  	_ =	shalt  }
0x6c: {  	_ =	shalt  }
0x6d: {  	_ =	shalt  }
0x6e: {  	_ =	shalt  }
0x6f: {  	_ =	shalt  }
0x70: {  	_ =	shalt  }
0x71: {  	_ =	shalt  }
0x72: {  	_ =	shalt  }
0x73: {  	_ =	shalt  }
0x74: {  	_ =	shalt  }
0x75: {  	_ =	shalt  }
0x76: {  	_ =	shalt  }
0x77: {  	_ =	shalt  }
0x78: {  	_ =	shalt  }
0x79: {  	_ =	shalt  }
0x7a: {  	_ =	shalt  }
0x7b: {  	_ =	shalt  }
0x7c: {  	_ =	shalt  }
0x7d: {  	_ =	shalt  }
0x7e: {  	_ =	shalt  }
0x7f: {  	_ =	shalt  }
0x80: {  	_ =	shalt  }
0x81: {  	_ =	shalt  }
0x82: {  	_ =	shalt  }
0x83: {  	_ =	shalt  }
0x84: {  	_ =	shalt  }
0x85: {  	_ =	shalt  }
0x86: {  	_ =	shalt  }
0x87: {  	_ =	shalt  }
.Lfunc_end0:
.L_simem_size_0:
called_computation.1_lowered:
.L_overlay_start_0:
0x88: {  	s2 =	sld [smem:$0x3FD9]  }
0x89: {  	s3 =	sld [smem:$0x3FFE];
	_ =	sdelay $0x1  }
0x8a: {  	s1 =	srdreg.scid  }
0x8b: {  	s0 =	sand.u32 $0x1, s1  }
0x8c: {  	s17 =	sshll.u32 s0, $0xA;
	s2 =	sadd.s32 s3, s2  }
0x8d: {  	s2 =	sadd.s32 s2, s17  }
0x8e: {  	[smem:$0x3FB9] =	sst s2  }
0x8f: {  	_ = 	snop  }
0x90: {  	s2 =	sld [smem:$0x3FC9]  }
0x91: {  	s18 =	sld [smem:$0x3FD0];
	(tm) =	ssettm $0x1  }
0x92: {  	s4 =	sld [smem:$0x3FFB];
	_ =	sdelay $0x3  }
0x93: {  	_ =	strace s4  }
0x94: {  	s4 =	sld [smem:$0x3FFC];
	_ =	sdelay $0x3  }
0x95: {  	_ =	strace s4  }
0x96: {  	s4 =	sld [smem:$0x3FFD];
	_ =	sdelay $0x3  }
0x97: {  	_ =	strace s4  }
0x98: {  	_ =	strace $0x8FFFFFFF  }
0x99: {  	s19 =	sld [smem:$0x3FDB];
	_ =	sdelay $0x1  }
0x9a: {  	s5 =	simm.s32 $_scs_section_size  }
0x9b: {  	s6 =	simm.s32 $_size__tile_overlayer_lowered;
	s7 =	simm.s32 $_tile_overlayer_lowered  }
0x9c: {  	s22 =	simm.s32 $0x1BFF;
	s21 =	sshll.u32 s7, $0x1;
	s4 =	sadd.s32 s5, s19  }
0x9d: {  	s8 =	simm.s32 $0x0;
	s20 =	sshll.u32 s6, $0x1;
	s6 =	sadd.s32 s21, s4  }
0x9e: {  	[timem:s8], [sflag:s22] =	dma.local [hbm:s6], s20  }
0x9f: {  	_ =	swait.ge [sflag:s22], s20  }
0xa0: {  	s5 =	ssub.s32 $0x0, s20;
	[sflag:s22] =	ssyncset.done $0x0  }
0xa1: {  	[sflag:s22] =	ssyncadd.s32 s5;
	_ =	sdelay $0x1  }
0xa2: {  	s23 =	simm.s32 $0x1B8B  }
0xa3: {  	_ =	swait.ge [sflag:s23], $0x1  }
0xa4: {  	[sflag:s23] =	ssyncset.done $0x0  }
0xa5: {  	s25 =	simm.s32 $0x1B8E;
	s24 =	sld [smem:$0x3FFE];
	[sflag:s23] =	ssyncadd.s32 $0xFFFFFFFF  }
0xa6: {  	s26 =	simm.s32 $execute0_lowered;
	[smem:$0x3FD2] =	sst s25  }
0xa7: {  	s6 =	sshll.u32 s26, $0x1;
	_ =	strace $0x80000046;
	[dreg:$0x1] =	wrdreg $0xFFFFFFFF  }
0xa8: {  	s28 =	simm.s32 $_size_execute0_lowered;
	s4 =	sadd.s32 s4, s6;
	[dreg:$0x0] =	wrdreg $0x0  }
0xa9: {  	s6 =	sshll.u32 s28, $0x1;
	[dreg:$0x2] =	wrdreg s4  }
0xaa: {  	[dreg:$0x3] =	wrdreg s6  }
0xab: {  	[dreg:$0x4] =	wrdreg $0xC0  }
0xac: {  	_ =	task [dreg:s8], $0x5FFFF  }
0xad: {  	[dreg:$0x1] =	wrdreg $0xFFFFFFFF  }
0xae: {  	[dreg:$0x0] =	wrdreg $0x60  }
0xaf: {  	[dreg:$0x2] =	wrdreg s2  }
0xb0: {  	[dreg:$0x3] =	wrdreg s18  }
0xb1: {  	[dreg:$0x4] =	wrdreg s24  }
0xb2: {  	[dreg:$0x5] =	wrdreg $0x90000  }
0xb3: {  	[dreg:$0x6] =	wrdreg $0xA  }
0xb4: {  	_ =	task.clear_ibuf [dreg:s8], $0x7FFFF;
	_ =	strace $0x90000046  }
0xb5: {  	s29 =	simm.s32 $0xA;
	_ =	strace $0x80000048  }
0xb6: {  	_ =	swait.ge [sflag:s29], $0x1  }
0xb7: {  	[sflag:s29] =	ssyncadd.s32 $0xFFFFFFFF  }
0xb8: {  	_ =	strace $0x90000048  }
0xb9: {  	_ =	sfence  }
0xba: {  	s30 =	sld [smem:$0x0];
	_ =	sdelay $0x2  }
0xbb: {  	s31 =	sshll.u32 s1, $0xD;
	s1 =	sshrl.u32 s1, $0x2  }
0xbc: {  	s3 =	sand.u32 $0x4000, s31;
	s1 =	sadd.s32 s1, s30  }
0xbd: {  	s0 =	sor.u32 s3, s0;
	s1 =	sshll.u32 s1, $0x11  }
0xbe: {  	s0 =	sor.u32 s1, s0  }
0xbf: {  	s0 =	sadd.s32 $0x8F2B, s0  }
0xc0: {  	[sflag:s0] =	ssyncadd.remote.s32 $0x1  }
0xc1: {  	_ =	sfence.sel $0xFFFF  }
0xc2: {  	[dreg:$0x0] =	wrdreg $0xFFFFFFFF;
	(pc) =	sbr.abs _section_cstart, $3  }
0xc3: {  	[dreg:$0x1] =	wrdreg $0xFFFFFFFF  }
0xc4: {  	_ =	task.clear_ibuf [dreg:s8], $0x2FFFF;
	_ =	strace $0x9FFFFFFF  }
0xc5: {  	(tm) =	ssettm $0x7FFFFFFF  }
tec
execute0_lowered:
.L_overlay_start_1:
0x0: {  	(tag) =	ssettag $0x1  }
0x1: {  	s1 =	rddreg [dreg:$0x0]  }
0x2: {  	s7 =	rddreg [dreg:$0x1]  }
0x3: {  	s6 =	rddreg [dreg:$0x2]  }
0x4: {  	s0 =	srdreg.scid;
	s3 =	rddreg [dreg:$0x3];
	s4 =	simm.s32 $0x0  }
0x5: {  	s15 =	simm.s32 $0x5000;
	s11 =	sand.u32 $0x1, s0;
	s0 =	stileid.u32  }
0x6: {  	s16 =	simm.s32 $0x0;
	[smem:$0x7FF] =	sst s4;
	s5 =	smul.u32 $0x140000, s11  }
0x7: {  	s2 =	sshll.u32 s11, $0x4;
	s9 =	smul.u32 $0x14000, s0;
	s12 =	ssub.s32 $0x2, s11  }
0x8: {  	s13 =	smul.u32 $0x50000, s0;
	s31 =	sshll.u32 s0, $0x6;
	s2 =	sor.u32 s0, s2  }
0x9: {  	s11 =	sor.u32 $0x4E, s11;
	s29 =	sshrl.u32 s12, $0x1;
	s8 =	smul.u32 $0x500, s2  }
0xa: {  	s2 =	rddreg [dreg:$0x4];
	_ =	strace $0x80000047;
	s5 =	sadd.s32 s9, s5  }
0xb: {  	s12 =	ssub.s32 s12, s29;
	s30 =	sshrl.u32 s13, $0x2;
	s13 =	simm.s32 $0x1  }
0xc: {  	s9 =	sshrl.u32 s5, $0x3;
	s5 =	sadd.s32 $0xD000, s6;
	s14 =	sadd.s32 s30, s3  }
0xd: {  	s10 =	sadd.s32 s8, s6;
	s9 =	sadd.s32 s9, s6;
	s6 =	sor.u32 $0x1C01, s31  }
0xe: {  	s7 =	sadd.s32 s7, s8;
	s8 =	sadd.s32 $0x3000, s10;
	s9 =	sadd.s32 $0xF800, s9  }
0xf: {  	s10 =	smax.u32 s12, $0x1;
	s12 =	sshrl.u32 s14, $0x3;
	s14 =	simm.s32 $0x80  }
.LBB2_1:
0x10: {  	[spmem:s12], [sflag:s6] =	dma.local [hbm:s5], $0x2800  }
0x11: {  	_ =	swait.ge [sflag:s13], $0x2800  }
0x12: {  	[sflag:s13] =	ssyncset.done $0x0  }
0x13: {  	[sflag:s13] =	ssyncadd.s32 $0xFFFFD800  }
0x14: {  	[tilespmem:s4], [sflag:$0x1] =	stream.linear.gather [hbm4b:s7+s4], $0x2780, $0x38;
	[tilespmem:$0x1D000] =	vst v63  }
0x15: {  	_ =	swait.ge [sflag:s13], $0x2780  }
0x16: {  	[sflag:s13] =	ssyncset.done $0x0  }
0x17: {  	s17 =	simm.s32 $0x2800;
	[sflag:s13] =	ssyncadd.s32 $0xFFFFD880  }
0x18: {  	[tilespmem:s17], [sflag:$0x1] =	stream.linear.gather [hbm4b:s8+s4], $0x2780, $0x38;
	[tilespmem:$0x1D000] =	vst v63  }
0x19: {  	_ =	swait.ge [sflag:s13], $0x2780  }
0x1a: {  	[sflag:s13] =	ssyncset.done $0x0  }
0x1b: {  	[sflag:s13] =	ssyncadd.s32 $0xFFFFD880  }
0x1c: {  	[bflag:$0x0] =	sbarrier.arrive $0xFFFF  }
0x1d: {  	[tilespmem:s15], [sflag:$0x1] =	stream.indirect.gather [hbm4b:s1+s14], $0x80, s4, s14, $0xb8;
	[tilespmem:$0x1D000] =	vst v63  }
0x1e: {  	p0 =	sne.s32 s11, $0x1;
	_ =	swait.ge [sflag:s13], $0x4000  }
.Ltmp0:
0x1f: {  	[sflag:s13] =	ssyncset.done $0x0;
	(pc) =	sbr.rel @!p0 .LBB2_3-.Ltmp0, $4  }
0x20: {  	[sflag:s13] =	ssyncadd.s32 $0xFFFFC000  }
0x21: {  	[spmem:s3] =	stream.indirect.scatter.add.f32 [tilespmem:s15], [sflag:$0x1], $0x80, s17, s14, $0xb8;
	[tilespmem:$0x1D000] =	vst v63  }
0x22: {  	_ =	swait.ge [sflag:s13], $0x4000  }
0x23: {  	s18 =	sadd.s32 $0xFFFFFFFF, s11;
	s19 =	simm.s32 $0x0;
	[sflag:s13] =	ssyncset.done $0x0  }
.LBB2_2:
0x24: {  	[sflag:s13] =	ssyncadd.s32 $0xFFFFC000;
	s19 =	sadd.s32 $0x80, s19;
	s17 =	sadd.s32 $0x80, s17  }
0x25: {  	[tilespmem:s15], [sflag:$0x1] =	stream.indirect.gather [hbm4b:s1+s14], $0x80, s19, s14, $0xb8;
	[tilespmem:$0x1D000] =	vst v63  }
0x26: {  	p0 =	sne.s32 s18, $0x1;
	s18 =	sadd.s32 $0xFFFFFFFF, s18;
	_ =	swait.ge [sflag:s13], $0x4000  }
.Ltmp1:
0x27: {  	[sflag:s13] =	ssyncset.done $0x0;
	(pc) =	sbr.rel @p0 .LBB2_2-.Ltmp1, $4  }
0x28: {  	[sflag:s13] =	ssyncadd.s32 $0xFFFFC000  }
0x29: {  	[spmem:s3] =	stream.indirect.scatter.add.f32 [tilespmem:s15], [sflag:$0x1], $0x80, s17, s14, $0xb8;
	[tilespmem:$0x1D000] =	vst v63  }
0x2a: {  	_ =	swait.ge [sflag:s13], $0x4000  }
0x2b: {  	[sflag:s13] =	ssyncset.done $0x0  }
.LBB2_3:
0x2c: {  	s16 =	sadd.s32 $0x1, s16  }
0x2d: {  	[sflag:s13] =	ssyncadd.s32 $0xFFFFC000;
	p0 =	sne.s32 s16, s10  }
.Ltmp2:
0x2e: {  	[bflag:$0x0] =	sbarrier.arrive $0xFFFF;
	(pc) =	sbr.rel @p0 .LBB2_1-.Ltmp2, $4  }
0x2f: {  	[hbm:s9], [sflag:s6] =	dma.local [spmem:s12], $0x2800  }
0x30: {  	_ =	swait.ge [sflag:s13], $0x2800  }
0x31: {  	[sflag:s13] =	ssyncset.done $0x0  }
0x32: {  	[sflag:s13] =	ssyncadd.s32 $0xFFFFD800  }
0x33: {  	_ =	sfence.sel $0x180000  }
0x34: {  	[bflag:$0x0] =	sbarrier.arrive $0xFFFF  }
0x35: {  	p0 =	sne.s32 s0, $0x0;
	_ =	strace $0x90000047  }
0x36: {  	s0 =	sadd.s32 @!p0 $0x100000, s2;
	[bflag:$0x2] =	sbarrier.arrive $0xFFFF  }
0x37: {  	[sflag:s0] =	ssyncadd.tile.s32 @!p0 $0x1;
	_ =	shalt  }
.Lfunc_end2:
_tile_overlayer_lowered:
.L_overlay_start_2:
0x38: {  	(tag) =	ssettag $0x2  }
0x39: {  	s0 =	rddreg [dreg:$0x0];
	s2 =	stileid.u32  }
0x3a: {  	s1 =	rddreg [dreg:$0x1];
	p0 =	sne.s32 s2, $0x0  }
0x3b: {  	s3 =	rddreg [dreg:$0x2];
	[bflag:$0x3] =	sbarrier.arrive $0xFFFF;
	s2 =	simm.s32 @!p0 $0x1C01  }
0x3c: {  	[timem:s3], [sflag:s2] =	dma.local @!p0 [hbm:s0], s1  }
0x3d: {  	s0 =	simm.s32 @!p0 $0x1  }
0x3e: {  	_ =	swait.ge @!p0 [sflag:s0], s1  }
0x3f: {  	s1 =	ssub.s32 @!p0 $0x0, s1;
	[sflag:s0] =	ssyncset.done @!p0 $0x0  }
0x40: {  	[sflag:s0] =	ssyncadd.s32 @!p0 s1  }
0x41: {  	[bflag:$0x3] =	sbarrier.arrive $0xFFFF  }
0x42: {  	_ =	shalt  }

// kernel: kernel.15.cloned.1.call-start
scs
__scs_entry_jumppad:
0x0: {  	(pc) =	sbr.rel $0x88, $3  }
0x1: {  	(tag) =	ssettag $0x0;
	lr =	simm.s32 $0x1  }
0x2: {  	[smem:$0x3F92] =	sst lr;
	_ =	strace $0xD0000000  }
0x3: {  	_ = 	snop  }
0x4: {  	_ = 	snop  }
0x5: {  	_ = 	snop  }
0x6: {  	_ = 	snop  }
0x7: {  	_ = 	snop  }
__scs_overlays_trampoline_lowered:
0x8: {  	[smem:$0x3FA1] =	sst s0  }
0x9: {  	[smem:$0x3FA2] =	sst s1  }
0xa: {  	[smem:$0x3FA3] =	sst s2  }
0xb: {  	[smem:$0x3FA4] =	sst s3  }
0xc: {  	[smem:$0x3FA5] =	sst s4  }
0xd: {  	[smem:$0x3FA6] =	sst s5  }
0xe: {  	[smem:$0x3FA7] =	sst s6  }
0xf: {  	[smem:$0x3FA8] =	sst s7  }
0x10: {  	[smem:$0x3FA9] =	sst s8  }
0x11: {  	[smem:$0x3FAA] =	sst s9;
	s0 =	simm.s32 @!p0 $0x0  }
0x12: {  	s1 =	sld [smem:$0x3F90];
	s0 =	simm.s32 @p0 $0x1  }
0x13: {  	[smem:$0x3FAB] =	sst s0;
	s0 =	simm.s32 @!p1 $0x0  }
0x14: {  	s2 =	sld [smem:$0x3F8F];
	s0 =	simm.s32 @p1 $0x1  }
0x15: {  	[smem:$0x3FAC] =	sst s0;
	s0 =	simm.s32 @!p2 $0x0  }
0x16: {  	s3 =	sld [smem:$0x3FDB];
	s0 =	simm.s32 @p2 $0x1  }
0x17: {  	s4 =	simm.s32 $0x1BF5;
	[smem:$0x3FAE] =	sst s0  }
0x18: {  	s0 =	sld [smem:$0x3F91];
	_ =	swait.ge [sflag:s4], $0x0  }
0x19: {  	s7 =	sld [smem:$0x3F92]  }
0x1a: {  	s8 =	sadd.s32 $0xFFFFE003, lr  }
0x1b: {  	s9 =	sadd.s32 $0xFFFFFEF7, lr;
	s5 =	simm.s32 $0xFFFFFFFF;
	p2 =	slt.u32 s8, $0xFFFFF086  }
0x1c: {  	p1 =	slt.u32 s9, $0xF7A;
	s5 =	simm.s32 @!p2 $0x0  }
0x1d: {  	s5 =	simm.s32 @p1 $0x1;
	p0 =	seq.s32 s7, s2  }
0x1e: {  	s7 =	smul.u32 @!p0 $0xF7A, s2;
	p2 =	seq.s32 @!p0 s5, $0x0  }
0x1f: {  	s9 =	smul.u32 $0xF7A, s1;
	s8 =	simm.s32 @!p0 $0x1BF5;
	p2 =	por !p2, p0  }
0x20: {  	[sflag:s8] =	ssyncset.s32 @!p0 $0xFFFFF086;
	s6 =	sadd.s32 @!p0 s3, s7;
	s7 =	simm.s32 @!p0 $0x108  }
0x21: {  	s3 =	sadd.s32 s3, s9;
	s6 =	sadd.s32 @!p0 $0x88, s6;
	s7 =	simm.s32 @p2 $0x1082  }
0x22: {  	[simem:s7], [sflag:s8] =	dma.local @!p0 [hbm:s6], $0xF7A  }
0x23: {  	s9 =	sor.u32 $0xD0000000, s2;
	s6 =	simm.s32 $0x108;
	_ =	swait.ge @!p0 [sflag:s8], $0x0  }
0x24: {  	s3 =	sadd.s32 $0x88, s3;
	s6 =	simm.s32 @!p1 $0x1082;
	[sflag:s4] =	ssyncset.s32 $0xFFFFF086  }
0x25: {  	[simem:s6], [sflag:s4] =	dma.local [hbm:s3], $0xF7A  }
0x26: {  	[smem:$0x3F92] =	sst s1;
	(tag) =	ssettag s2;
	_ =	strace s9  }
0x27: {  	s1 =	sld [smem:$0x3FA2]  }
0x28: {  	s2 =	sld [smem:$0x3FA3]  }
0x29: {  	s4 =	sld [smem:$0x3FA5]  }
0x2a: {  	p0 =	seq.s32 s5, $0x0;
	s5 =	sld [smem:$0x3FA6]  }
0x2b: {  	s6 =	sld [smem:$0x3FA7]  }
0x2c: {  	s7 =	sld [smem:$0x3FA8]  }
0x2d: {  	s3 =	simm.s32 $0x108;
	s8 =	sld [smem:$0x3FA9]  }
0x2e: {  	s3 =	simm.s32 @!p0 $0x1082;
	s9 =	sld [smem:$0x3FAA]  }
0x2f: {  	lr =	sadd.s32 s0, s3;
	s0 =	sld [smem:$0x3FA1]  }
0x30: {  	s3 =	sld [smem:$0x3FA4]  }
0x31: {  	[smem:$0x3FAD] =	sst s10  }
0x32: {  	s10 =	sld [smem:$0x3FAB];
	_ =	sdelay $0x3  }
0x33: {  	p0 =	seq.s32 s10, $0x1;
	s10 =	sld [smem:$0x3FAD];
	_ =	sdelay $0x3  }
0x34: {  	[smem:$0x3FAD] =	sst s10  }
0x35: {  	s10 =	sld [smem:$0x3FAC];
	_ =	sdelay $0x3  }
0x36: {  	p1 =	seq.s32 s10, $0x1;
	s10 =	sld [smem:$0x3FAD];
	_ =	sdelay $0x3  }
0x37: {  	[smem:$0x3FAD] =	sst s10  }
0x38: {  	s10 =	sld [smem:$0x3FAE]  }
0x39: {  	_ = 	snop;
	(pc) =	sbr.ind lr, $3  }
0x3a: {  	_ = 	snop  }
0x3b: {  	_ = 	snop  }
0x3c: {  	p2 =	seq.s32 s10, $0x1;
	s10 =	sld [smem:$0x3FAD]  }
0x3d: {  	_ =	shalt  }
0x3e: {  	_ =	shalt  }
0x3f: {  	_ =	shalt  }
0x40: {  	_ =	shalt  }
0x41: {  	_ =	shalt  }
0x42: {  	_ =	shalt  }
0x43: {  	_ =	shalt  }
0x44: {  	_ =	shalt  }
0x45: {  	_ =	shalt  }
0x46: {  	_ =	shalt  }
0x47: {  	_ =	shalt  }
0x48: {  	_ =	shalt  }
0x49: {  	_ =	shalt  }
0x4a: {  	_ =	shalt  }
0x4b: {  	_ =	shalt  }
0x4c: {  	_ =	shalt  }
0x4d: {  	_ =	shalt  }
0x4e: {  	_ =	shalt  }
0x4f: {  	_ =	shalt  }
0x50: {  	_ =	shalt  }
0x51: {  	_ =	shalt  }
0x52: {  	_ =	shalt  }
0x53: {  	_ =	shalt  }
0x54: {  	_ =	shalt  }
0x55: {  	_ =	shalt  }
0x56: {  	_ =	shalt  }
0x57: {  	_ =	shalt  }
0x58: {  	_ =	shalt  }
0x59: {  	_ =	shalt  }
0x5a: {  	_ =	shalt  }
0x5b: {  	_ =	shalt  }
0x5c: {  	_ =	shalt  }
0x5d: {  	_ =	shalt  }
0x5e: {  	_ =	shalt  }
0x5f: {  	_ =	shalt  }
0x60: {  	_ =	shalt  }
0x61: {  	_ =	shalt  }
0x62: {  	_ =	shalt  }
0x63: {  	_ =	shalt  }
0x64: {  	_ =	shalt  }
0x65: {  	_ =	shalt  }
0x66: {  	_ =	shalt  }
0x67: {  	_ =	shalt  }
0x68: {  	_ =	shalt  }
0x69: {  	_ =	shalt  }
0x6a: {  	_ =	shalt  }
0x6b: {  	_ =	shalt  }
0x6c: {  	_ =	shalt  }
0x6d: {  	_ =	shalt  }
0x6e: {  	_ =	shalt  }
0x6f: {  	_ =	shalt  }
0x70: {  	_ =	shalt  }
0x71: {  	_ =	shalt  }
0x72: {  	_ =	shalt  }
0x73: {  	_ =	shalt  }
0x74: {  	_ =	shalt  }
0x75: {  	_ =	shalt  }
0x76: {  	_ =	shalt  }
0x77: {  	_ =	shalt  }
0x78: {  	_ =	shalt  }
0x79: {  	_ =	shalt  }
0x7a: {  	_ =	shalt  }
0x7b: {  	_ =	shalt  }
0x7c: {  	_ =	shalt  }
0x7d: {  	_ =	shalt  }
0x7e: {  	_ =	shalt  }
0x7f: {  	_ =	shalt  }
0x80: {  	_ =	shalt  }
0x81: {  	_ =	shalt  }
0x82: {  	_ =	shalt  }
0x83: {  	_ =	shalt  }
0x84: {  	_ =	shalt  }
0x85: {  	_ =	shalt  }
0x86: {  	_ =	shalt  }
0x87: {  	_ =	shalt  }
.Lfunc_end0:
.L_simem_size_0:
called_computation.2_lowered:
.L_overlay_start_0:
0x88: {  	s2 =	sld [smem:$0x3FD9]  }
0x89: {  	s3 =	sld [smem:$0x3FFE];
	_ =	sdelay $0x1  }
0x8a: {  	s1 =	srdreg.scid  }
0x8b: {  	s0 =	sand.u32 $0x1, s1  }
0x8c: {  	s17 =	sshll.u32 s0, $0xA;
	s2 =	sadd.s32 s3, s2  }
0x8d: {  	s2 =	sadd.s32 s2, s17  }
0x8e: {  	[smem:$0x3FB9] =	sst s2  }
0x8f: {  	_ = 	snop  }
0x90: {  	s2 =	sld [smem:$0x3FD0];
	(tm) =	ssettm $0x1  }
0x91: {  	s18 =	sld [smem:$0x3FFB];
	_ =	sdelay $0x3  }
0x92: {  	_ =	strace s18  }
0x93: {  	s3 =	sld [smem:$0x3FFC];
	_ =	sdelay $0x3  }
0x94: {  	_ =	strace s3  }
0x95: {  	s3 =	sld [smem:$0x3FFD];
	_ =	sdelay $0x3  }
0x96: {  	_ =	strace s3  }
0x97: {  	_ =	strace $0x8FFFFFFF  }
0x98: {  	s19 =	sld [smem:$0x3FDB];
	_ =	sdelay $0x1  }
0x99: {  	s4 =	simm.s32 $_scs_section_size  }
0x9a: {  	s5 =	simm.s32 $_size__tile_overlayer_lowered;
	s6 =	simm.s32 $_tile_overlayer_lowered  }
0x9b: {  	s22 =	simm.s32 $0x1BFF;
	s21 =	sshll.u32 s6, $0x1;
	s3 =	sadd.s32 s4, s19  }
0x9c: {  	s7 =	simm.s32 $0x0;
	s20 =	sshll.u32 s5, $0x1;
	s5 =	sadd.s32 s21, s3  }
0x9d: {  	[timem:s7], [sflag:s22] =	dma.local [hbm:s5], s20  }
0x9e: {  	_ =	swait.ge [sflag:s22], s20  }
0x9f: {  	s4 =	ssub.s32 $0x0, s20;
	[sflag:s22] =	ssyncset.done $0x0  }
0xa0: {  	[sflag:s22] =	ssyncadd.s32 s4;
	_ =	sdelay $0x1  }
0xa1: {  	s23 =	simm.s32 $0x1B8B  }
0xa2: {  	_ =	swait.ge [sflag:s23], $0x1  }
0xa3: {  	[sflag:s23] =	ssyncset.done $0x0  }
0xa4: {  	s25 =	simm.s32 $0x1B8E;
	s24 =	sld [smem:$0x3FFE];
	[sflag:s23] =	ssyncadd.s32 $0xFFFFFFFF  }
0xa5: {  	s26 =	simm.s32 $execute0_lowered;
	[smem:$0x3FD2] =	sst s25  }
0xa6: {  	s5 =	sshll.u32 s26, $0x1;
	_ =	strace $0x8000004C;
	[dreg:$0x1] =	wrdreg $0xFFFFFFFF  }
0xa7: {  	s28 =	simm.s32 $_size_execute0_lowered;
	s3 =	sadd.s32 s3, s5;
	[dreg:$0x0] =	wrdreg $0x0  }
0xa8: {  	s5 =	sshll.u32 s28, $0x1;
	[dreg:$0x2] =	wrdreg s3  }
0xa9: {  	[dreg:$0x3] =	wrdreg s5  }
0xaa: {  	[dreg:$0x4] =	wrdreg $0xC0  }
0xab: {  	_ =	task [dreg:s7], $0x5FFFF  }
0xac: {  	[dreg:$0x1] =	wrdreg $0xFFFFFFFF  }
0xad: {  	[dreg:$0x0] =	wrdreg $0x60  }
0xae: {  	[dreg:$0x2] =	wrdreg s24  }
0xaf: {  	[dreg:$0x3] =	wrdreg s2  }
0xb0: {  	[dreg:$0x4] =	wrdreg $0x90000  }
0xb1: {  	[dreg:$0x5] =	wrdreg $0x9  }
0xb2: {  	_ =	task.clear_ibuf [dreg:s7], $0x6FFFF;
	_ =	strace $0x9000004C  }
0xb3: {  	s29 =	simm.s32 $0x9;
	_ =	strace $0x8000004E  }
0xb4: {  	_ =	swait.ge [sflag:s29], $0x1  }
0xb5: {  	[sflag:s29] =	ssyncadd.s32 $0xFFFFFFFF  }
0xb6: {  	_ =	strace $0x9000004E  }
0xb7: {  	_ =	sfence  }
0xb8: {  	s30 =	sld [smem:$0x0];
	_ =	sdelay $0x2  }
0xb9: {  	s31 =	sshll.u32 s1, $0xD;
	s1 =	sshrl.u32 s1, $0x2  }
0xba: {  	s3 =	sand.u32 $0x4000, s31;
	s1 =	sadd.s32 s1, s30  }
0xbb: {  	s0 =	sor.u32 s3, s0;
	s1 =	sshll.u32 s1, $0x11  }
0xbc: {  	s0 =	sor.u32 s1, s0  }
0xbd: {  	s0 =	sadd.s32 $0x8F2B, s0  }
0xbe: {  	[sflag:s0] =	ssyncadd.remote.s32 $0x1  }
0xbf: {  	_ =	sfence.sel $0xFFFF  }
0xc0: {  	[dreg:$0x0] =	wrdreg $0xFFFFFFFF;
	(pc) =	sbr.abs _section_cstart, $3  }
0xc1: {  	[dreg:$0x1] =	wrdreg $0xFFFFFFFF  }
0xc2: {  	_ =	task.clear_ibuf [dreg:s7], $0x2FFFF;
	_ =	strace $0x9FFFFFFF  }
0xc3: {  	(tm) =	ssettm $0x7FFFFFFF  }
tec
execute0_lowered:
.L_overlay_start_1:
0x0: {  	(tag) =	ssettag $0x1  }
0x1: {  	s6 =	rddreg [dreg:$0x0]  }
0x2: {  	s0 =	srdreg.scid;
	s7 =	rddreg [dreg:$0x1]  }
0x3: {  	s2 =	rddreg [dreg:$0x2];
	s3 =	simm.s32 $0x0;
	s15 =	simm.s32 $0x5000  }
0x4: {  	s16 =	simm.s32 $0x0;
	s11 =	sand.u32 $0x1, s0;
	s0 =	stileid.u32  }
0x5: {  	[smem:$0x7FF] =	sst s3;
	s4 =	sadd.s32 $0xF800, s6;
	s5 =	smul.u32 $0x140000, s11  }
0x6: {  	s1 =	sshll.u32 s11, $0x4;
	s9 =	smul.u32 $0x14000, s0;
	s12 =	ssub.s32 $0x2, s11  }
0x7: {  	s13 =	smul.u32 $0x50000, s0;
	s31 =	sshll.u32 s0, $0x6;
	s1 =	sor.u32 s0, s1  }
0x8: {  	s11 =	sor.u32 $0x4E, s11;
	s29 =	sshrl.u32 s12, $0x1;
	s8 =	smul.u32 $0x500, s1  }
0x9: {  	s1 =	rddreg [dreg:$0x3];
	_ =	strace $0x8000004D;
	s5 =	sadd.s32 s9, s5  }
0xa: {  	s12 =	ssub.s32 s12, s29;
	s30 =	sshrl.u32 s13, $0x2;
	s13 =	simm.s32 $0x1  }
0xb: {  	s9 =	sshrl.u32 s5, $0x3;
	s5 =	sadd.s32 $0xD000, s6;
	s14 =	sadd.s32 s30, s2  }
0xc: {  	s10 =	sadd.s32 s8, s6;
	s9 =	sadd.s32 s9, s6;
	s6 =	sor.u32 $0x1C01, s31  }
0xd: {  	s7 =	sadd.s32 s7, s8;
	s8 =	sadd.s32 $0x3000, s10;
	s9 =	sadd.s32 $0xB0000, s9  }
0xe: {  	s10 =	smax.u32 s12, $0x1;
	s12 =	sshrl.u32 s14, $0x3;
	s14 =	simm.s32 $0x80  }
.LBB2_1:
0xf: {  	[spmem:s12], [sflag:s6] =	dma.local [hbm:s5], $0x2800  }
0x10: {  	_ =	swait.ge [sflag:s13], $0x2800  }
0x11: {  	[sflag:s13] =	ssyncset.done $0x0  }
0x12: {  	[sflag:s13] =	ssyncadd.s32 $0xFFFFD800  }
0x13: {  	[tilespmem:s3], [sflag:$0x1] =	stream.linear.gather [hbm4b:s7+s3], $0x2780, $0x38;
	[tilespmem:$0x1D000] =	vst v63  }
0x14: {  	_ =	swait.ge [sflag:s13], $0x2780  }
0x15: {  	[sflag:s13] =	ssyncset.done $0x0  }
0x16: {  	s17 =	simm.s32 $0x2800;
	[sflag:s13] =	ssyncadd.s32 $0xFFFFD880  }
0x17: {  	[tilespmem:s17], [sflag:$0x1] =	stream.linear.gather [hbm4b:s8+s3], $0x2780, $0x38;
	[tilespmem:$0x1D000] =	vst v63  }
0x18: {  	_ =	swait.ge [sflag:s13], $0x2780  }
0x19: {  	[sflag:s13] =	ssyncset.done $0x0  }
0x1a: {  	[sflag:s13] =	ssyncadd.s32 $0xFFFFD880  }
0x1b: {  	[bflag:$0x0] =	sbarrier.arrive $0xFFFF  }
0x1c: {  	[tilespmem:s15], [sflag:$0x1] =	stream.indirect.gather [hbm4b:s4+s14], $0x80, s3, s14, $0xb8;
	[tilespmem:$0x1D000] =	vst v63  }
0x1d: {  	p0 =	sne.s32 s11, $0x1;
	_ =	swait.ge [sflag:s13], $0x4000  }
.Ltmp0:
0x1e: {  	[sflag:s13] =	ssyncset.done $0x0;
	(pc) =	sbr.rel @!p0 .LBB2_3-.Ltmp0, $4  }
0x1f: {  	[sflag:s13] =	ssyncadd.s32 $0xFFFFC000  }
0x20: {  	[spmem:s2] =	stream.indirect.scatter.add.f32 [tilespmem:s15], [sflag:$0x1], $0x80, s17, s14, $0xb8;
	[tilespmem:$0x1D000] =	vst v63  }
0x21: {  	_ =	swait.ge [sflag:s13], $0x4000  }
0x22: {  	s18 =	sadd.s32 $0xFFFFFFFF, s11;
	s19 =	simm.s32 $0x0;
	[sflag:s13] =	ssyncset.done $0x0  }
.LBB2_2:
0x23: {  	[sflag:s13] =	ssyncadd.s32 $0xFFFFC000;
	s19 =	sadd.s32 $0x80, s19;
	s17 =	sadd.s32 $0x80, s17  }
0x24: {  	[tilespmem:s15], [sflag:$0x1] =	stream.indirect.gather [hbm4b:s4+s14], $0x80, s19, s14, $0xb8;
	[tilespmem:$0x1D000] =	vst v63  }
0x25: {  	p0 =	sne.s32 s18, $0x1;
	s18 =	sadd.s32 $0xFFFFFFFF, s18;
	_ =	swait.ge [sflag:s13], $0x4000  }
.Ltmp1:
0x26: {  	[sflag:s13] =	ssyncset.done $0x0;
	(pc) =	sbr.rel @p0 .LBB2_2-.Ltmp1, $4  }
0x27: {  	[sflag:s13] =	ssyncadd.s32 $0xFFFFC000  }
0x28: {  	[spmem:s2] =	stream.indirect.scatter.add.f32 [tilespmem:s15], [sflag:$0x1], $0x80, s17, s14, $0xb8;
	[tilespmem:$0x1D000] =	vst v63  }
0x29: {  	_ =	swait.ge [sflag:s13], $0x4000  }
0x2a: {  	[sflag:s13] =	ssyncset.done $0x0  }
.LBB2_3:
0x2b: {  	s16 =	sadd.s32 $0x1, s16  }
0x2c: {  	[sflag:s13] =	ssyncadd.s32 $0xFFFFC000;
	p0 =	sne.s32 s16, s10  }
.Ltmp2:
0x2d: {  	[bflag:$0x0] =	sbarrier.arrive $0xFFFF;
	(pc) =	sbr.rel @p0 .LBB2_1-.Ltmp2, $4  }
0x2e: {  	[hbm:s9], [sflag:s6] =	dma.local [spmem:s12], $0x2800  }
0x2f: {  	_ =	swait.ge [sflag:s13], $0x2800  }
0x30: {  	[sflag:s13] =	ssyncset.done $0x0  }
0x31: {  	[sflag:s13] =	ssyncadd.s32 $0xFFFFD800  }
0x32: {  	_ =	sfence.sel $0x180000  }
0x33: {  	[bflag:$0x0] =	sbarrier.arrive $0xFFFF  }
0x34: {  	p0 =	sne.s32 s0, $0x0;
	_ =	strace $0x9000004D  }
0x35: {  	s0 =	sadd.s32 @!p0 $0x100000, s1;
	[bflag:$0x2] =	sbarrier.arrive $0xFFFF  }
0x36: {  	[sflag:s0] =	ssyncadd.tile.s32 @!p0 $0x1;
	_ =	shalt  }
.Lfunc_end2:
_tile_overlayer_lowered:
.L_overlay_start_2:
0x37: {  	(tag) =	ssettag $0x2  }
0x38: {  	s0 =	rddreg [dreg:$0x0];
	s2 =	stileid.u32  }
0x39: {  	s1 =	rddreg [dreg:$0x1];
	p0 =	sne.s32 s2, $0x0  }
0x3a: {  	s3 =	rddreg [dreg:$0x2];
	[bflag:$0x3] =	sbarrier.arrive $0xFFFF;
	s2 =	simm.s32 @!p0 $0x1C01  }
0x3b: {  	[timem:s3], [sflag:s2] =	dma.local @!p0 [hbm:s0], s1  }
0x3c: {  	s0 =	simm.s32 @!p0 $0x1  }
0x3d: {  	_ =	swait.ge @!p0 [sflag:s0], s1  }
0x3e: {  	s1 =	ssub.s32 @!p0 $0x0, s1;
	[sflag:s0] =	ssyncset.done @!p0 $0x0  }
0x3f: {  	[sflag:s0] =	ssyncadd.s32 @!p0 s1  }
0x40: {  	[bflag:$0x3] =	sbarrier.arrive $0xFFFF  }
0x41: {  	_ =	shalt  }

// kernel: kernel.18.cloned.1.call-start
scs
__scs_entry_jumppad:
0x0: {  	(pc) =	sbr.rel $0x88, $3  }
0x1: {  	(tag) =	ssettag $0x0;
	lr =	simm.s32 $0x1  }
0x2: {  	[smem:$0x3F92] =	sst lr;
	_ =	strace $0xD0000000  }
0x3: {  	_ = 	snop  }
0x4: {  	_ = 	snop  }
0x5: {  	_ = 	snop  }
0x6: {  	_ = 	snop  }
0x7: {  	_ = 	snop  }
__scs_overlays_trampoline_lowered:
0x8: {  	[smem:$0x3FA1] =	sst s0  }
0x9: {  	[smem:$0x3FA2] =	sst s1  }
0xa: {  	[smem:$0x3FA3] =	sst s2  }
0xb: {  	[smem:$0x3FA4] =	sst s3  }
0xc: {  	[smem:$0x3FA5] =	sst s4  }
0xd: {  	[smem:$0x3FA6] =	sst s5  }
0xe: {  	[smem:$0x3FA7] =	sst s6  }
0xf: {  	[smem:$0x3FA8] =	sst s7  }
0x10: {  	[smem:$0x3FA9] =	sst s8  }
0x11: {  	[smem:$0x3FAA] =	sst s9;
	s0 =	simm.s32 @!p0 $0x0  }
0x12: {  	s1 =	sld [smem:$0x3F90];
	s0 =	simm.s32 @p0 $0x1  }
0x13: {  	[smem:$0x3FAB] =	sst s0;
	s0 =	simm.s32 @!p1 $0x0  }
0x14: {  	s2 =	sld [smem:$0x3F8F];
	s0 =	simm.s32 @p1 $0x1  }
0x15: {  	[smem:$0x3FAC] =	sst s0;
	s0 =	simm.s32 @!p2 $0x0  }
0x16: {  	s3 =	sld [smem:$0x3FDB];
	s0 =	simm.s32 @p2 $0x1  }
0x17: {  	s4 =	simm.s32 $0x1BF5;
	[smem:$0x3FAE] =	sst s0  }
0x18: {  	s0 =	sld [smem:$0x3F91];
	_ =	swait.ge [sflag:s4], $0x0  }
0x19: {  	s7 =	sld [smem:$0x3F92]  }
0x1a: {  	s8 =	sadd.s32 $0xFFFFE003, lr  }
0x1b: {  	s9 =	sadd.s32 $0xFFFFFEF7, lr;
	s5 =	simm.s32 $0xFFFFFFFF;
	p2 =	slt.u32 s8, $0xFFFFF086  }
0x1c: {  	p1 =	slt.u32 s9, $0xF7A;
	s5 =	simm.s32 @!p2 $0x0  }
0x1d: {  	s5 =	simm.s32 @p1 $0x1;
	p0 =	seq.s32 s7, s2  }
0x1e: {  	s7 =	smul.u32 @!p0 $0xF7A, s2;
	p2 =	seq.s32 @!p0 s5, $0x0  }
0x1f: {  	s9 =	smul.u32 $0xF7A, s1;
	s8 =	simm.s32 @!p0 $0x1BF5;
	p2 =	por !p2, p0  }
0x20: {  	[sflag:s8] =	ssyncset.s32 @!p0 $0xFFFFF086;
	s6 =	sadd.s32 @!p0 s3, s7;
	s7 =	simm.s32 @!p0 $0x108  }
0x21: {  	s3 =	sadd.s32 s3, s9;
	s6 =	sadd.s32 @!p0 $0x88, s6;
	s7 =	simm.s32 @p2 $0x1082  }
0x22: {  	[simem:s7], [sflag:s8] =	dma.local @!p0 [hbm:s6], $0xF7A  }
0x23: {  	s9 =	sor.u32 $0xD0000000, s2;
	s6 =	simm.s32 $0x108;
	_ =	swait.ge @!p0 [sflag:s8], $0x0  }
0x24: {  	s3 =	sadd.s32 $0x88, s3;
	s6 =	simm.s32 @!p1 $0x1082;
	[sflag:s4] =	ssyncset.s32 $0xFFFFF086  }
0x25: {  	[simem:s6], [sflag:s4] =	dma.local [hbm:s3], $0xF7A  }
0x26: {  	[smem:$0x3F92] =	sst s1;
	(tag) =	ssettag s2;
	_ =	strace s9  }
0x27: {  	s1 =	sld [smem:$0x3FA2]  }
0x28: {  	s2 =	sld [smem:$0x3FA3]  }
0x29: {  	s4 =	sld [smem:$0x3FA5]  }
0x2a: {  	p0 =	seq.s32 s5, $0x0;
	s5 =	sld [smem:$0x3FA6]  }
0x2b: {  	s6 =	sld [smem:$0x3FA7]  }
0x2c: {  	s7 =	sld [smem:$0x3FA8]  }
0x2d: {  	s3 =	simm.s32 $0x108;
	s8 =	sld [smem:$0x3FA9]  }
0x2e: {  	s3 =	simm.s32 @!p0 $0x1082;
	s9 =	sld [smem:$0x3FAA]  }
0x2f: {  	lr =	sadd.s32 s0, s3;
	s0 =	sld [smem:$0x3FA1]  }
0x30: {  	s3 =	sld [smem:$0x3FA4]  }
0x31: {  	[smem:$0x3FAD] =	sst s10  }
0x32: {  	s10 =	sld [smem:$0x3FAB];
	_ =	sdelay $0x3  }
0x33: {  	p0 =	seq.s32 s10, $0x1;
	s10 =	sld [smem:$0x3FAD];
	_ =	sdelay $0x3  }
0x34: {  	[smem:$0x3FAD] =	sst s10  }
0x35: {  	s10 =	sld [smem:$0x3FAC];
	_ =	sdelay $0x3  }
0x36: {  	p1 =	seq.s32 s10, $0x1;
	s10 =	sld [smem:$0x3FAD];
	_ =	sdelay $0x3  }
0x37: {  	[smem:$0x3FAD] =	sst s10  }
0x38: {  	s10 =	sld [smem:$0x3FAE]  }
0x39: {  	_ = 	snop;
	(pc) =	sbr.ind lr, $3  }
0x3a: {  	_ = 	snop  }
0x3b: {  	_ = 	snop  }
0x3c: {  	p2 =	seq.s32 s10, $0x1;
	s10 =	sld [smem:$0x3FAD]  }
0x3d: {  	_ =	shalt  }
0x3e: {  	_ =	shalt  }
0x3f: {  	_ =	shalt  }
0x40: {  	_ =	shalt  }
0x41: {  	_ =	shalt  }
0x42: {  	_ =	shalt  }
0x43: {  	_ =	shalt  }
0x44: {  	_ =	shalt  }
0x45: {  	_ =	shalt  }
0x46: {  	_ =	shalt  }
0x47: {  	_ =	shalt  }
0x48: {  	_ =	shalt  }
0x49: {  	_ =	shalt  }
0x4a: {  	_ =	shalt  }
0x4b: {  	_ =	shalt  }
0x4c: {  	_ =	shalt  }
0x4d: {  	_ =	shalt  }
0x4e: {  	_ =	shalt  }
0x4f: {  	_ =	shalt  }
0x50: {  	_ =	shalt  }
0x51: {  	_ =	shalt  }
0x52: {  	_ =	shalt  }
0x53: {  	_ =	shalt  }
0x54: {  	_ =	shalt  }
0x55: {  	_ =	shalt  }
0x56: {  	_ =	shalt  }
0x57: {  	_ =	shalt  }
0x58: {  	_ =	shalt  }
0x59: {  	_ =	shalt  }
0x5a: {  	_ =	shalt  }
0x5b: {  	_ =	shalt  }
0x5c: {  	_ =	shalt  }
0x5d: {  	_ =	shalt  }
0x5e: {  	_ =	shalt  }
0x5f: {  	_ =	shalt  }
0x60: {  	_ =	shalt  }
0x61: {  	_ =	shalt  }
0x62: {  	_ =	shalt  }
0x63: {  	_ =	shalt  }
0x64: {  	_ =	shalt  }
0x65: {  	_ =	shalt  }
0x66: {  	_ =	shalt  }
0x67: {  	_ =	shalt  }
0x68: {  	_ =	shalt  }
0x69: {  	_ =	shalt  }
0x6a: {  	_ =	shalt  }
0x6b: {  	_ =	shalt  }
0x6c: {  	_ =	shalt  }
0x6d: {  	_ =	shalt  }
0x6e: {  	_ =	shalt  }
0x6f: {  	_ =	shalt  }
0x70: {  	_ =	shalt  }
0x71: {  	_ =	shalt  }
0x72: {  	_ =	shalt  }
0x73: {  	_ =	shalt  }
0x74: {  	_ =	shalt  }
0x75: {  	_ =	shalt  }
0x76: {  	_ =	shalt  }
0x77: {  	_ =	shalt  }
0x78: {  	_ =	shalt  }
0x79: {  	_ =	shalt  }
0x7a: {  	_ =	shalt  }
0x7b: {  	_ =	shalt  }
0x7c: {  	_ =	shalt  }
0x7d: {  	_ =	shalt  }
0x7e: {  	_ =	shalt  }
0x7f: {  	_ =	shalt  }
0x80: {  	_ =	shalt  }
0x81: {  	_ =	shalt  }
0x82: {  	_ =	shalt  }
0x83: {  	_ =	shalt  }
0x84: {  	_ =	shalt  }
0x85: {  	_ =	shalt  }
0x86: {  	_ =	shalt  }
0x87: {  	_ =	shalt  }
.Lfunc_end0:
.L_simem_size_0:
called_computation.3_lowered:
.L_overlay_start_0:
0x88: {  	s2 =	sld [smem:$0x3FD9]  }
0x89: {  	s3 =	sld [smem:$0x3FFE];
	_ =	sdelay $0x1  }
0x8a: {  	s1 =	srdreg.scid  }
0x8b: {  	s0 =	sand.u32 $0x1, s1  }
0x8c: {  	s17 =	sshll.u32 s0, $0xA;
	s2 =	sadd.s32 s3, s2  }
0x8d: {  	s2 =	sadd.s32 s2, s17  }
0x8e: {  	[smem:$0x3FB9] =	sst s2  }
0x8f: {  	_ = 	snop  }
0x90: {  	s2 =	sld [smem:$0x3FD0];
	(tm) =	ssettm $0x1  }
0x91: {  	s18 =	sld [smem:$0x3FFB];
	_ =	sdelay $0x3  }
0x92: {  	_ =	strace s18  }
0x93: {  	s3 =	sld [smem:$0x3FFC];
	_ =	sdelay $0x3  }
0x94: {  	_ =	strace s3  }
0x95: {  	s3 =	sld [smem:$0x3FFD];
	_ =	sdelay $0x3  }
0x96: {  	_ =	strace s3  }
0x97: {  	_ =	strace $0x8FFFFFFF  }
0x98: {  	s19 =	sld [smem:$0x3FDB];
	_ =	sdelay $0x1  }
0x99: {  	s4 =	simm.s32 $_scs_section_size  }
0x9a: {  	s5 =	simm.s32 $_size__tile_overlayer_lowered;
	s6 =	simm.s32 $_tile_overlayer_lowered  }
0x9b: {  	s22 =	simm.s32 $0x1BFF;
	s21 =	sshll.u32 s6, $0x1;
	s3 =	sadd.s32 s4, s19  }
0x9c: {  	s7 =	simm.s32 $0x0;
	s20 =	sshll.u32 s5, $0x1;
	s5 =	sadd.s32 s21, s3  }
0x9d: {  	[timem:s7], [sflag:s22] =	dma.local [hbm:s5], s20  }
0x9e: {  	_ =	swait.ge [sflag:s22], s20  }
0x9f: {  	s4 =	ssub.s32 $0x0, s20;
	[sflag:s22] =	ssyncset.done $0x0  }
0xa0: {  	[sflag:s22] =	ssyncadd.s32 s4;
	_ =	sdelay $0x1  }
0xa1: {  	s23 =	simm.s32 $0x1B8B  }
0xa2: {  	_ =	swait.ge [sflag:s23], $0x1  }
0xa3: {  	[sflag:s23] =	ssyncset.done $0x0  }
0xa4: {  	s25 =	simm.s32 $0x1B8E;
	s24 =	sld [smem:$0x3FFE];
	[sflag:s23] =	ssyncadd.s32 $0xFFFFFFFF  }
0xa5: {  	s26 =	simm.s32 $execute0_lowered;
	[smem:$0x3FD2] =	sst s25  }
0xa6: {  	s5 =	sshll.u32 s26, $0x1;
	_ =	strace $0x8000004F;
	[dreg:$0x1] =	wrdreg $0xFFFFFFFF  }
0xa7: {  	s28 =	simm.s32 $_size_execute0_lowered;
	s3 =	sadd.s32 s3, s5;
	[dreg:$0x0] =	wrdreg $0x0  }
0xa8: {  	s5 =	sshll.u32 s28, $0x1;
	[dreg:$0x2] =	wrdreg s3  }
0xa9: {  	[dreg:$0x3] =	wrdreg s5  }
0xaa: {  	[dreg:$0x4] =	wrdreg $0xC0  }
0xab: {  	_ =	task [dreg:s7], $0x5FFFF  }
0xac: {  	[dreg:$0x1] =	wrdreg $0xFFFFFFFF  }
0xad: {  	[dreg:$0x0] =	wrdreg $0x60  }
0xae: {  	[dreg:$0x2] =	wrdreg s24  }
0xaf: {  	[dreg:$0x3] =	wrdreg s2  }
0xb0: {  	[dreg:$0x4] =	wrdreg $0x90000  }
0xb1: {  	[dreg:$0x5] =	wrdreg $0x9  }
0xb2: {  	_ =	task.clear_ibuf [dreg:s7], $0x6FFFF;
	_ =	strace $0x9000004F  }
0xb3: {  	s29 =	simm.s32 $0x9;
	_ =	strace $0x80000051  }
0xb4: {  	_ =	swait.ge [sflag:s29], $0x1  }
0xb5: {  	[sflag:s29] =	ssyncadd.s32 $0xFFFFFFFF  }
0xb6: {  	_ =	strace $0x90000051  }
0xb7: {  	_ =	sfence  }
0xb8: {  	s30 =	sld [smem:$0x0];
	_ =	sdelay $0x2  }
0xb9: {  	s31 =	sshll.u32 s1, $0xD;
	s1 =	sshrl.u32 s1, $0x2  }
0xba: {  	s3 =	sand.u32 $0x4000, s31;
	s1 =	sadd.s32 s1, s30  }
0xbb: {  	s0 =	sor.u32 s3, s0;
	s1 =	sshll.u32 s1, $0x11  }
0xbc: {  	s0 =	sor.u32 s1, s0  }
0xbd: {  	s0 =	sadd.s32 $0x8F2B, s0  }
0xbe: {  	[sflag:s0] =	ssyncadd.remote.s32 $0x1  }
0xbf: {  	_ =	sfence.sel $0xFFFF  }
0xc0: {  	[dreg:$0x0] =	wrdreg $0xFFFFFFFF;
	(pc) =	sbr.abs _section_cstart, $3  }
0xc1: {  	[dreg:$0x1] =	wrdreg $0xFFFFFFFF  }
0xc2: {  	_ =	task.clear_ibuf [dreg:s7], $0x2FFFF;
	_ =	strace $0x9FFFFFFF  }
0xc3: {  	(tm) =	ssettm $0x7FFFFFFF  }
tec
execute0_lowered:
.L_overlay_start_1:
0x0: {  	(tag) =	ssettag $0x1  }
0x1: {  	s6 =	rddreg [dreg:$0x0]  }
0x2: {  	s0 =	srdreg.scid;
	s7 =	rddreg [dreg:$0x1]  }
0x3: {  	s2 =	rddreg [dreg:$0x2];
	s3 =	simm.s32 $0x0;
	s15 =	simm.s32 $0x5000  }
0x4: {  	s16 =	simm.s32 $0x0;
	s11 =	sand.u32 $0x1, s0;
	s0 =	stileid.u32  }
0x5: {  	[smem:$0x7FF] =	sst s3;
	s4 =	sadd.s32 $0xF800, s6;
	s5 =	smul.u32 $0x140000, s11  }
0x6: {  	s1 =	sshll.u32 s11, $0x4;
	s9 =	smul.u32 $0x14000, s0;
	s12 =	ssub.s32 $0x2, s11  }
0x7: {  	s13 =	smul.u32 $0x50000, s0;
	s31 =	sshll.u32 s0, $0x6;
	s1 =	sor.u32 s0, s1  }
0x8: {  	s11 =	sor.u32 $0x4E, s11;
	s29 =	sshrl.u32 s12, $0x1;
	s8 =	smul.u32 $0x500, s1  }
0x9: {  	s1 =	rddreg [dreg:$0x3];
	_ =	strace $0x80000050;
	s5 =	sadd.s32 s9, s5  }
0xa: {  	s12 =	ssub.s32 s12, s29;
	s30 =	sshrl.u32 s13, $0x2;
	s13 =	simm.s32 $0x1  }
0xb: {  	s9 =	sshrl.u32 s5, $0x3;
	s5 =	sadd.s32 $0xD000, s6;
	s14 =	sadd.s32 s30, s2  }
0xc: {  	s10 =	sadd.s32 s8, s6;
	s9 =	sadd.s32 s9, s6;
	s6 =	sor.u32 $0x1C01, s31  }
0xd: {  	s7 =	sadd.s32 s7, s8;
	s8 =	sadd.s32 $0x3000, s10;
	s9 =	sadd.s32 $0xB0000, s9  }
0xe: {  	s10 =	smax.u32 s12, $0x1;
	s12 =	sshrl.u32 s14, $0x3;
	s14 =	simm.s32 $0x80  }
.LBB2_1:
0xf: {  	[spmem:s12], [sflag:s6] =	dma.local [hbm:s5], $0x2800  }
0x10: {  	_ =	swait.ge [sflag:s13], $0x2800  }
0x11: {  	[sflag:s13] =	ssyncset.done $0x0  }
0x12: {  	[sflag:s13] =	ssyncadd.s32 $0xFFFFD800  }
0x13: {  	[tilespmem:s3], [sflag:$0x1] =	stream.linear.gather [hbm4b:s7+s3], $0x2780, $0x38;
	[tilespmem:$0x1D000] =	vst v63  }
0x14: {  	_ =	swait.ge [sflag:s13], $0x2780  }
0x15: {  	[sflag:s13] =	ssyncset.done $0x0  }
0x16: {  	s17 =	simm.s32 $0x2800;
	[sflag:s13] =	ssyncadd.s32 $0xFFFFD880  }
0x17: {  	[tilespmem:s17], [sflag:$0x1] =	stream.linear.gather [hbm4b:s8+s3], $0x2780, $0x38;
	[tilespmem:$0x1D000] =	vst v63  }
0x18: {  	_ =	swait.ge [sflag:s13], $0x2780  }
0x19: {  	[sflag:s13] =	ssyncset.done $0x0  }
0x1a: {  	[sflag:s13] =	ssyncadd.s32 $0xFFFFD880  }
0x1b: {  	[bflag:$0x0] =	sbarrier.arrive $0xFFFF  }
0x1c: {  	[tilespmem:s15], [sflag:$0x1] =	stream.indirect.gather [hbm4b:s4+s14], $0x80, s3, s14, $0xb8;
	[tilespmem:$0x1D000] =	vst v63  }
0x1d: {  	p0 =	sne.s32 s11, $0x1;
	_ =	swait.ge [sflag:s13], $0x4000  }
.Ltmp0:
0x1e: {  	[sflag:s13] =	ssyncset.done $0x0;
	(pc) =	sbr.rel @!p0 .LBB2_3-.Ltmp0, $4  }
0x1f: {  	[sflag:s13] =	ssyncadd.s32 $0xFFFFC000  }
0x20: {  	[spmem:s2] =	stream.indirect.scatter.add.f32 [tilespmem:s15], [sflag:$0x1], $0x80, s17, s14, $0xb8;
	[tilespmem:$0x1D000] =	vst v63  }
0x21: {  	_ =	swait.ge [sflag:s13], $0x4000  }
0x22: {  	s18 =	sadd.s32 $0xFFFFFFFF, s11;
	s19 =	simm.s32 $0x0;
	[sflag:s13] =	ssyncset.done $0x0  }
.LBB2_2:
0x23: {  	[sflag:s13] =	ssyncadd.s32 $0xFFFFC000;
	s19 =	sadd.s32 $0x80, s19;
	s17 =	sadd.s32 $0x80, s17  }
0x24: {  	[tilespmem:s15], [sflag:$0x1] =	stream.indirect.gather [hbm4b:s4+s14], $0x80, s19, s14, $0xb8;
	[tilespmem:$0x1D000] =	vst v63  }
0x25: {  	p0 =	sne.s32 s18, $0x1;
	s18 =	sadd.s32 $0xFFFFFFFF, s18;
	_ =	swait.ge [sflag:s13], $0x4000  }
.Ltmp1:
0x26: {  	[sflag:s13] =	ssyncset.done $0x0;
	(pc) =	sbr.rel @p0 .LBB2_2-.Ltmp1, $4  }
0x27: {  	[sflag:s13] =	ssyncadd.s32 $0xFFFFC000  }
0x28: {  	[spmem:s2] =	stream.indirect.scatter.add.f32 [tilespmem:s15], [sflag:$0x1], $0x80, s17, s14, $0xb8;
	[tilespmem:$0x1D000] =	vst v63  }
0x29: {  	_ =	swait.ge [sflag:s13], $0x4000  }
0x2a: {  	[sflag:s13] =	ssyncset.done $0x0  }
.LBB2_3:
0x2b: {  	s16 =	sadd.s32 $0x1, s16  }
0x2c: {  	[sflag:s13] =	ssyncadd.s32 $0xFFFFC000;
	p0 =	sne.s32 s16, s10  }
.Ltmp2:
0x2d: {  	[bflag:$0x0] =	sbarrier.arrive $0xFFFF;
	(pc) =	sbr.rel @p0 .LBB2_1-.Ltmp2, $4  }
0x2e: {  	[hbm:s9], [sflag:s6] =	dma.local [spmem:s12], $0x2800  }
0x2f: {  	_ =	swait.ge [sflag:s13], $0x2800  }
0x30: {  	[sflag:s13] =	ssyncset.done $0x0  }
0x31: {  	[sflag:s13] =	ssyncadd.s32 $0xFFFFD800  }
0x32: {  	_ =	sfence.sel $0x180000  }
0x33: {  	[bflag:$0x0] =	sbarrier.arrive $0xFFFF  }
0x34: {  	p0 =	sne.s32 s0, $0x0;
	_ =	strace $0x90000050  }
0x35: {  	s0 =	sadd.s32 @!p0 $0x100000, s1;
	[bflag:$0x2] =	sbarrier.arrive $0xFFFF  }
0x36: {  	[sflag:s0] =	ssyncadd.tile.s32 @!p0 $0x1;
	_ =	shalt  }
.Lfunc_end2:
_tile_overlayer_lowered:
.L_overlay_start_2:
0x37: {  	(tag) =	ssettag $0x2  }
0x38: {  	s0 =	rddreg [dreg:$0x0];
	s2 =	stileid.u32  }
0x39: {  	s1 =	rddreg [dreg:$0x1];
	p0 =	sne.s32 s2, $0x0  }
0x3a: {  	s3 =	rddreg [dreg:$0x2];
	[bflag:$0x3] =	sbarrier.arrive $0xFFFF;
	s2 =	simm.s32 @!p0 $0x1C01  }
0x3b: {  	[timem:s3], [sflag:s2] =	dma.local @!p0 [hbm:s0], s1  }
0x3c: {  	s0 =	simm.s32 @!p0 $0x1  }
0x3d: {  	_ =	swait.ge @!p0 [sflag:s0], s1  }
0x3e: {  	s1 =	ssub.s32 @!p0 $0x0, s1;
	[sflag:s0] =	ssyncset.done @!p0 $0x0  }
0x3f: {  	[sflag:s0] =	ssyncadd.s32 @!p0 s1  }
0x40: {  	[bflag:$0x3] =	sbarrier.arrive $0xFFFF  }
0x41: {  	_ =	shalt  }

// kernel: kernel.9.cloned.1.call-start
scs
__scs_entry_jumppad:
0x0: {  	(pc) =	sbr.rel $0x88, $3  }
0x1: {  	(tag) =	ssettag $0x0;
	lr =	simm.s32 $0x1  }
0x2: {  	[smem:$0x3F92] =	sst lr;
	_ =	strace $0xD0000000  }
0x3: {  	_ = 	snop  }
0x4: {  	_ = 	snop  }
0x5: {  	_ = 	snop  }
0x6: {  	_ = 	snop  }
0x7: {  	_ = 	snop  }
__scs_overlays_trampoline_lowered:
0x8: {  	[smem:$0x3FA1] =	sst s0  }
0x9: {  	[smem:$0x3FA2] =	sst s1  }
0xa: {  	[smem:$0x3FA3] =	sst s2  }
0xb: {  	[smem:$0x3FA4] =	sst s3  }
0xc: {  	[smem:$0x3FA5] =	sst s4  }
0xd: {  	[smem:$0x3FA6] =	sst s5  }
0xe: {  	[smem:$0x3FA7] =	sst s6  }
0xf: {  	[smem:$0x3FA8] =	sst s7  }
0x10: {  	[smem:$0x3FA9] =	sst s8  }
0x11: {  	[smem:$0x3FAA] =	sst s9;
	s0 =	simm.s32 @!p0 $0x0  }
0x12: {  	s1 =	sld [smem:$0x3F90];
	s0 =	simm.s32 @p0 $0x1  }
0x13: {  	[smem:$0x3FAB] =	sst s0;
	s0 =	simm.s32 @!p1 $0x0  }
0x14: {  	s2 =	sld [smem:$0x3F8F];
	s0 =	simm.s32 @p1 $0x1  }
0x15: {  	[smem:$0x3FAC] =	sst s0;
	s0 =	simm.s32 @!p2 $0x0  }
0x16: {  	s3 =	sld [smem:$0x3FDB];
	s0 =	simm.s32 @p2 $0x1  }
0x17: {  	s4 =	simm.s32 $0x1BF5;
	[smem:$0x3FAE] =	sst s0  }
0x18: {  	s0 =	sld [smem:$0x3F91];
	_ =	swait.ge [sflag:s4], $0x0  }
0x19: {  	s7 =	sld [smem:$0x3F92]  }
0x1a: {  	s8 =	sadd.s32 $0xFFFFE003, lr  }
0x1b: {  	s9 =	sadd.s32 $0xFFFFFEF7, lr;
	s5 =	simm.s32 $0xFFFFFFFF;
	p2 =	slt.u32 s8, $0xFFFFF086  }
0x1c: {  	p1 =	slt.u32 s9, $0xF7A;
	s5 =	simm.s32 @!p2 $0x0  }
0x1d: {  	s5 =	simm.s32 @p1 $0x1;
	p0 =	seq.s32 s7, s2  }
0x1e: {  	s7 =	smul.u32 @!p0 $0xF7A, s2;
	p2 =	seq.s32 @!p0 s5, $0x0  }
0x1f: {  	s9 =	smul.u32 $0xF7A, s1;
	s8 =	simm.s32 @!p0 $0x1BF5;
	p2 =	por !p2, p0  }
0x20: {  	[sflag:s8] =	ssyncset.s32 @!p0 $0xFFFFF086;
	s6 =	sadd.s32 @!p0 s3, s7;
	s7 =	simm.s32 @!p0 $0x108  }
0x21: {  	s3 =	sadd.s32 s3, s9;
	s6 =	sadd.s32 @!p0 $0x88, s6;
	s7 =	simm.s32 @p2 $0x1082  }
0x22: {  	[simem:s7], [sflag:s8] =	dma.local @!p0 [hbm:s6], $0xF7A  }
0x23: {  	s9 =	sor.u32 $0xD0000000, s2;
	s6 =	simm.s32 $0x108;
	_ =	swait.ge @!p0 [sflag:s8], $0x0  }
0x24: {  	s3 =	sadd.s32 $0x88, s3;
	s6 =	simm.s32 @!p1 $0x1082;
	[sflag:s4] =	ssyncset.s32 $0xFFFFF086  }
0x25: {  	[simem:s6], [sflag:s4] =	dma.local [hbm:s3], $0xF7A  }
0x26: {  	[smem:$0x3F92] =	sst s1;
	(tag) =	ssettag s2;
	_ =	strace s9  }
0x27: {  	s1 =	sld [smem:$0x3FA2]  }
0x28: {  	s2 =	sld [smem:$0x3FA3]  }
0x29: {  	s4 =	sld [smem:$0x3FA5]  }
0x2a: {  	p0 =	seq.s32 s5, $0x0;
	s5 =	sld [smem:$0x3FA6]  }
0x2b: {  	s6 =	sld [smem:$0x3FA7]  }
0x2c: {  	s7 =	sld [smem:$0x3FA8]  }
0x2d: {  	s3 =	simm.s32 $0x108;
	s8 =	sld [smem:$0x3FA9]  }
0x2e: {  	s3 =	simm.s32 @!p0 $0x1082;
	s9 =	sld [smem:$0x3FAA]  }
0x2f: {  	lr =	sadd.s32 s0, s3;
	s0 =	sld [smem:$0x3FA1]  }
0x30: {  	s3 =	sld [smem:$0x3FA4]  }
0x31: {  	[smem:$0x3FAD] =	sst s10  }
0x32: {  	s10 =	sld [smem:$0x3FAB];
	_ =	sdelay $0x3  }
0x33: {  	p0 =	seq.s32 s10, $0x1;
	s10 =	sld [smem:$0x3FAD];
	_ =	sdelay $0x3  }
0x34: {  	[smem:$0x3FAD] =	sst s10  }
0x35: {  	s10 =	sld [smem:$0x3FAC];
	_ =	sdelay $0x3  }
0x36: {  	p1 =	seq.s32 s10, $0x1;
	s10 =	sld [smem:$0x3FAD];
	_ =	sdelay $0x3  }
0x37: {  	[smem:$0x3FAD] =	sst s10  }
0x38: {  	s10 =	sld [smem:$0x3FAE]  }
0x39: {  	_ = 	snop;
	(pc) =	sbr.ind lr, $3  }
0x3a: {  	_ = 	snop  }
0x3b: {  	_ = 	snop  }
0x3c: {  	p2 =	seq.s32 s10, $0x1;
	s10 =	sld [smem:$0x3FAD]  }
0x3d: {  	_ =	shalt  }
0x3e: {  	_ =	shalt  }
0x3f: {  	_ =	shalt  }
0x40: {  	_ =	shalt  }
0x41: {  	_ =	shalt  }
0x42: {  	_ =	shalt  }
0x43: {  	_ =	shalt  }
0x44: {  	_ =	shalt  }
0x45: {  	_ =	shalt  }
0x46: {  	_ =	shalt  }
0x47: {  	_ =	shalt  }
0x48: {  	_ =	shalt  }
0x49: {  	_ =	shalt  }
0x4a: {  	_ =	shalt  }
0x4b: {  	_ =	shalt  }
0x4c: {  	_ =	shalt  }
0x4d: {  	_ =	shalt  }
0x4e: {  	_ =	shalt  }
0x4f: {  	_ =	shalt  }
0x50: {  	_ =	shalt  }
0x51: {  	_ =	shalt  }
0x52: {  	_ =	shalt  }
0x53: {  	_ =	shalt  }
0x54: {  	_ =	shalt  }
0x55: {  	_ =	shalt  }
0x56: {  	_ =	shalt  }
0x57: {  	_ =	shalt  }
0x58: {  	_ =	shalt  }
0x59: {  	_ =	shalt  }
0x5a: {  	_ =	shalt  }
0x5b: {  	_ =	shalt  }
0x5c: {  	_ =	shalt  }
0x5d: {  	_ =	shalt  }
0x5e: {  	_ =	shalt  }
0x5f: {  	_ =	shalt  }
0x60: {  	_ =	shalt  }
0x61: {  	_ =	shalt  }
0x62: {  	_ =	shalt  }
0x63: {  	_ =	shalt  }
0x64: {  	_ =	shalt  }
0x65: {  	_ =	shalt  }
0x66: {  	_ =	shalt  }
0x67: {  	_ =	shalt  }
0x68: {  	_ =	shalt  }
0x69: {  	_ =	shalt  }
0x6a: {  	_ =	shalt  }
0x6b: {  	_ =	shalt  }
0x6c: {  	_ =	shalt  }
0x6d: {  	_ =	shalt  }
0x6e: {  	_ =	shalt  }
0x6f: {  	_ =	shalt  }
0x70: {  	_ =	shalt  }
0x71: {  	_ =	shalt  }
0x72: {  	_ =	shalt  }
0x73: {  	_ =	shalt  }
0x74: {  	_ =	shalt  }
0x75: {  	_ =	shalt  }
0x76: {  	_ =	shalt  }
0x77: {  	_ =	shalt  }
0x78: {  	_ =	shalt  }
0x79: {  	_ =	shalt  }
0x7a: {  	_ =	shalt  }
0x7b: {  	_ =	shalt  }
0x7c: {  	_ =	shalt  }
0x7d: {  	_ =	shalt  }
0x7e: {  	_ =	shalt  }
0x7f: {  	_ =	shalt  }
0x80: {  	_ =	shalt  }
0x81: {  	_ =	shalt  }
0x82: {  	_ =	shalt  }
0x83: {  	_ =	shalt  }
0x84: {  	_ =	shalt  }
0x85: {  	_ =	shalt  }
0x86: {  	_ =	shalt  }
0x87: {  	_ =	shalt  }
.Lfunc_end0:
.L_simem_size_0:
called_computation_lowered:
.L_overlay_start_0:
0x88: {  	s2 =	sld [smem:$0x3FD9]  }
0x89: {  	s3 =	sld [smem:$0x3FFE];
	_ =	sdelay $0x1  }
0x8a: {  	s1 =	srdreg.scid  }
0x8b: {  	s0 =	sand.u32 $0x1, s1  }
0x8c: {  	s17 =	sshll.u32 s0, $0xA;
	s2 =	sadd.s32 s3, s2  }
0x8d: {  	s2 =	sadd.s32 s2, s17  }
0x8e: {  	[smem:$0x3FB9] =	sst s2  }
0x8f: {  	_ = 	snop  }
0x90: {  	(tm) =	ssettm $0x1  }
0x91: {  	s18 =	sld [smem:$0x3FFB];
	_ =	sdelay $0x3  }
0x92: {  	_ =	strace s18  }
0x93: {  	s2 =	sld [smem:$0x3FFC];
	_ =	sdelay $0x3  }
0x94: {  	_ =	strace s2  }
0x95: {  	s2 =	sld [smem:$0x3FFD];
	_ =	sdelay $0x3  }
0x96: {  	_ =	strace s2  }
0x97: {  	_ =	strace $0x8FFFFFFF  }
0x98: {  	s19 =	sld [smem:$0x3FDB];
	_ =	sdelay $0x1  }
0x99: {  	s20 =	simm.s32 $_scs_section_size  }
0x9a: {  	s4 =	simm.s32 $_size__tile_overlayer_lowered;
	s5 =	simm.s32 $_tile_overlayer_lowered  }
0x9b: {  	s6 =	simm.s32 $0x1BFF;
	s21 =	sshll.u32 s5, $0x1;
	s3 =	sadd.s32 s20, s19  }
0x9c: {  	s22 =	simm.s32 $0x0;
	s4 =	sshll.u32 s4, $0x1;
	s5 =	sadd.s32 s21, s3  }
0x9d: {  	[timem:s22], [sflag:s6] =	dma.local [hbm:s5], s4  }
0x9e: {  	_ =	swait.ge [sflag:s6], s4  }
0x9f: {  	s4 =	ssub.s32 $0x0, s4;
	[sflag:s6] =	ssyncset.done $0x0  }
0xa0: {  	[sflag:s6] =	ssyncadd.s32 s4;
	_ =	sdelay $0x1  }
0xa1: {  	s23 =	simm.s32 $0x1B8B  }
0xa2: {  	_ =	swait.ge [sflag:s23], $0x1  }
0xa3: {  	[sflag:s23] =	ssyncset.done $0x0  }
0xa4: {  	[sflag:s23] =	ssyncadd.s32 $0xFFFFFFFF  }
0xa5: {  	s4 =	sld [smem:$0x0]  }
0xa6: {  	s5 =	sand.u32 $0xFFFFFFFE, s1  }
0xa7: {  	p0 =	sne.s32 s1, s5  }
0xa8: {  	s5 =	sshll.u32 @p0 s5, $0xE  }
0xa9: {  	s5 =	sadd.s32 @p0 $0x11B8D, s5;
	s6 =	sshll.u32 @p0 s4, $0x11  }
0xaa: {  	s5 =	sor.u32 @p0 s6, s5  }
0xab: {  	[sflag:s5] =	ssyncadd.remote.s32 @p0 $0x1;
	_ =	sdelay $0x1  }
0xac: {  	s5 =	simm.s32 @p0 $0x1B8D  }
0xad: {  	_ =	swait.eq @p0 [sflag:s5], $0x1  }
0xae: {  	[sflag:s5] =	ssyncadd.s32 @p0 $0xFFFFFFFF  }
0xaf: {  	s6 =	sshll.u32 @!p0 s1, $0xE  }
0xb0: {  	s6 =	sor.u32 @!p0 $0x4000, s6;
	s5 =	simm.s32 @!p0 $0x1B8D  }
0xb1: {  	s4 =	sshll.u32 @!p0 s4, $0x11;
	s6 =	sadd.s32 @!p0 $0x11B8D, s6;
	_ =	swait.eq @!p0 [sflag:s5], $0x1  }
0xb2: {  	s4 =	sor.u32 @!p0 s4, s6;
	[sflag:s5] =	ssyncadd.s32 @!p0 $0xFFFFFFFF  }
0xb3: {  	s25 =	simm.s32 $0x1B8E;
	s24 =	sld [smem:$0x3FFE];
	[sflag:s4] =	ssyncadd.remote.s32 @!p0 $0x1  }
0xb4: {  	s26 =	simm.s32 $execute0_lowered;
	[smem:$0x3FD2] =	sst s25  }
0xb5: {  	s5 =	sshll.u32 s26, $0x1;
	_ =	strace $0x80000049;
	[dreg:$0x1] =	wrdreg $0xFFFFFFFF  }
0xb6: {  	s28 =	simm.s32 $_size_execute0_lowered;
	s3 =	sadd.s32 s3, s5;
	[dreg:$0x0] =	wrdreg $0x0  }
0xb7: {  	s5 =	sshll.u32 s28, $0x1;
	[dreg:$0x2] =	wrdreg s3  }
0xb8: {  	[dreg:$0x3] =	wrdreg s5  }
0xb9: {  	[dreg:$0x4] =	wrdreg $0xC0  }
0xba: {  	_ =	task [dreg:s22], $0x5FFFF  }
0xbb: {  	[dreg:$0x1] =	wrdreg $0xFFFFFFFF  }
0xbc: {  	[dreg:$0x0] =	wrdreg $0x60  }
0xbd: {  	[dreg:$0x2] =	wrdreg s24  }
0xbe: {  	[dreg:$0x3] =	wrdreg $0x68000  }
0xbf: {  	[dreg:$0x4] =	wrdreg $0x9  }
0xc0: {  	_ =	task.clear_ibuf [dreg:s22], $0x5FFFF;
	_ =	strace $0x90000049  }
0xc1: {  	s29 =	simm.s32 $0x9;
	_ =	strace $0x8000004B  }
0xc2: {  	_ =	swait.ge [sflag:s29], $0x1  }
0xc3: {  	[sflag:s29] =	ssyncadd.s32 $0xFFFFFFFF  }
0xc4: {  	_ =	strace $0x9000004B  }
0xc5: {  	_ =	sfence  }
0xc6: {  	s30 =	sld [smem:$0x0];
	_ =	sdelay $0x2  }
0xc7: {  	s31 =	sshll.u32 s1, $0xD;
	s1 =	sshrl.u32 s1, $0x2  }
0xc8: {  	s4 =	sand.u32 $0x4000, s31;
	s1 =	sadd.s32 s1, s30  }
0xc9: {  	s0 =	sor.u32 s4, s0;
	s1 =	sshll.u32 s1, $0x11  }
0xca: {  	s0 =	sor.u32 s1, s0  }
0xcb: {  	s0 =	sadd.s32 $0x8F2B, s0  }
0xcc: {  	[sflag:s0] =	ssyncadd.remote.s32 $0x1  }
0xcd: {  	_ =	sfence.sel $0xFFFF  }
0xce: {  	[dreg:$0x0] =	wrdreg $0xFFFFFFFF;
	(pc) =	sbr.abs _section_cstart, $3  }
0xcf: {  	[dreg:$0x1] =	wrdreg $0xFFFFFFFF  }
0xd0: {  	_ =	task.clear_ibuf [dreg:s22], $0x2FFFF;
	_ =	strace $0x9FFFFFFF  }
0xd1: {  	(tm) =	ssettm $0x7FFFFFFF  }
tec
execute0_lowered:
.L_overlay_start_1:
0x0: {  	(tag) =	ssettag $0x1  }
0x1: {  	s0 =	srdreg.scid;
	s6 =	rddreg [dreg:$0x0]  }
0x2: {  	s2 =	rddreg [dreg:$0x1];
	s10 =	sand.u32 $0x1, s0  }
0x3: {  	s3 =	simm.s32 $0x0;
	s0 =	stileid.u32;
	s5 =	smul.u32 $0x140000, s10  }
0x4: {  	s15 =	simm.s32 $0x0;
	[smem:$0x7FF] =	sst s3;
	s7 =	smul.u32 $0x14000, s0  }
0x5: {  	s1 =	sshll.u32 s10, $0x4;
	s9 =	smul.u32 $0x50000, s0;
	s30 =	ssub.s32 $0x2, s10  }
0x6: {  	s12 =	sshll.u32 s0, $0x6;
	s10 =	sor.u32 $0x4E, s10;
	s1 =	sor.u32 s0, s1  }
0x7: {  	s31 =	sshrl.u32 s30, $0x1;
	s4 =	smul.u32 $0x500, s1;
	s1 =	rddreg [dreg:$0x2]  }
0x8: {  	_ =	strace $0x8000004A;
	s5 =	sadd.s32 s7, s5;
	s9 =	sshrl.u32 s9, $0x2  }
0x9: {  	s13 =	ssub.s32 s30, s31;
	s7 =	sshrl.u32 s5, $0x3;
	s5 =	sadd.s32 $0x5F800, s6  }
0xa: {  	s14 =	sadd.s32 s9, s2;
	s9 =	smax.u32 s13, $0x1;
	s13 =	simm.s32 $0x2800  }
0xb: {  	s8 =	sadd.s32 s4, s6;
	s4 =	sadd.s32 $0xD000, s6;
	s11 =	sadd.s32 s7, s6  }
0xc: {  	s6 =	sor.u32 $0x1C01, s12;
	s12 =	simm.s32 $0x1;
	s7 =	sadd.s32 $0x3000, s8  }
0xd: {  	s8 =	sadd.s32 $0x60000, s11;
	s11 =	sshrl.u32 s14, $0x3;
	s14 =	simm.s32 $0x80  }
.LBB2_1:
0xe: {  	[spmem:s11], [sflag:s6] =	dma.local [hbm:s4], $0x2800  }
0xf: {  	_ =	swait.ge [sflag:s12], $0x2800  }
0x10: {  	[sflag:s12] =	ssyncset.done $0x0  }
0x11: {  	[sflag:s12] =	ssyncadd.s32 $0xFFFFD800  }
0x12: {  	[tilespmem:s13], [sflag:$0x1] =	stream.linear.gather [hbm4b:s5+s3], $0x4000, $0x38;
	[tilespmem:$0x1A800] =	vst v63  }
0x13: {  	_ =	swait.ge [sflag:s12], $0x4000  }
0x14: {  	[sflag:s12] =	ssyncset.done $0x0  }
0x15: {  	[sflag:s12] =	ssyncadd.s32 $0xFFFFC000  }
0x16: {  	[tilespmem:s3], [sflag:$0x1] =	stream.linear.gather [hbm4b:s7+s3], $0x2780, $0x38;
	[tilespmem:$0x1A800] =	vst v63  }
0x17: {  	_ =	swait.ge [sflag:s12], $0x2780  }
0x18: {  	p0 =	sne.s32 s10, $0x1;
	[sflag:s12] =	ssyncset.done $0x0  }
.Ltmp0:
0x19: {  	[sflag:s12] =	ssyncadd.s32 $0xFFFFD880;
	(pc) =	sbr.rel @!p0 .LBB2_3-.Ltmp0, $4  }
0x1a: {  	[bflag:$0x0] =	sbarrier.arrive $0xFFFF  }
0x1b: {  	[spmem:s2] =	stream.indirect.scatter.add.f32 [tilespmem:s13], [sflag:$0x1], $0x80, s3, s14, $0xb8;
	[tilespmem:$0x1A800] =	vst v63  }
0x1c: {  	_ =	swait.ge [sflag:s12], $0x4000  }
0x1d: {  	s16 =	sadd.s32 $0xFFFFFFFF, s10;
	s17 =	simm.s32 $0x0;
	[sflag:s12] =	ssyncset.done $0x0  }
.LBB2_2:
0x1e: {  	p0 =	sne.s32 s16, $0x1;
	[sflag:s12] =	ssyncadd.s32 $0xFFFFC000;
	s17 =	sadd.s32 $0x80, s17  }
.Ltmp1:
0x1f: {  	s16 =	sadd.s32 $0xFFFFFFFF, s16;
	(pc) =	sbr.rel @p0 .LBB2_2-.Ltmp1, $4  }
0x20: {  	_ = 	snop  }
0x21: {  	[spmem:s2] =	stream.indirect.scatter.add.f32 [tilespmem:s13], [sflag:$0x1], $0x80, s17, s14, $0xb8;
	[tilespmem:$0x1A800] =	vst v63  }
0x22: {  	_ =	swait.ge [sflag:s12], $0x4000  }
0x23: {  	[sflag:s12] =	ssyncset.done $0x0  }
.LBB2_3:
0x24: {  	s15 =	sadd.s32 $0x1, s15  }
0x25: {  	[sflag:s12] =	ssyncadd.s32 $0xFFFFC000;
	p0 =	sne.s32 s15, s9  }
.Ltmp2:
0x26: {  	[bflag:$0x0] =	sbarrier.arrive $0xFFFF;
	(pc) =	sbr.rel @p0 .LBB2_1-.Ltmp2, $4  }
0x27: {  	[hbm:s8], [sflag:s6] =	dma.local [spmem:s11], $0x2800  }
0x28: {  	_ =	swait.ge [sflag:s12], $0x2800  }
0x29: {  	[sflag:s12] =	ssyncset.done $0x0  }
0x2a: {  	[sflag:s12] =	ssyncadd.s32 $0xFFFFD800  }
0x2b: {  	_ =	sfence.sel $0x180000  }
0x2c: {  	[bflag:$0x0] =	sbarrier.arrive $0xFFFF  }
0x2d: {  	p0 =	sne.s32 s0, $0x0;
	_ =	strace $0x9000004A  }
0x2e: {  	s0 =	sadd.s32 @!p0 $0x100000, s1;
	[bflag:$0x2] =	sbarrier.arrive $0xFFFF  }
0x2f: {  	[sflag:s0] =	ssyncadd.tile.s32 @!p0 $0x1;
	_ =	shalt  }
.Lfunc_end2:
_tile_overlayer_lowered:
.L_overlay_start_2:
0x30: {  	(tag) =	ssettag $0x2  }
0x31: {  	s0 =	rddreg [dreg:$0x0];
	s2 =	stileid.u32  }
0x32: {  	s1 =	rddreg [dreg:$0x1];
	p0 =	sne.s32 s2, $0x0  }
0x33: {  	s3 =	rddreg [dreg:$0x2];
	[bflag:$0x3] =	sbarrier.arrive $0xFFFF;
	s2 =	simm.s32 @!p0 $0x1C01  }
0x34: {  	[timem:s3], [sflag:s2] =	dma.local @!p0 [hbm:s0], s1  }
0x35: {  	s0 =	simm.s32 @!p0 $0x1  }
0x36: {  	_ =	swait.ge @!p0 [sflag:s0], s1  }
0x37: {  	s1 =	ssub.s32 @!p0 $0x0, s1;
	[sflag:s0] =	ssyncset.done @!p0 $0x0  }
0x38: {  	[sflag:s0] =	ssyncadd.s32 @!p0 s1  }
0x39: {  	[bflag:$0x3] =	sbarrier.arrive $0xFFFF  }
0x3a: {  	_ =	shalt  }

</sc_bundles>
